<compile_context>
chip_gen: v7x
topology: tpu7x:2x2x1
jax: 0.10.2.dev20260603
libtpu: 0.0.44.dev20260713+nightly
codegen_flags: <defaults>
</compile_context>

<pallas_src>
import functools

import jax
import jax.numpy as jnp
from jax import lax
from jax.experimental import pallas as pl
from jax.experimental.pallas import tpu as pltpu
from jax.experimental.pallas import tpu_sc as plsc

_B, _N, _M = 16, 20000, 100
_L = 16
_TILES = 10
_TILES_LAST = 7
_ROWS = 8

_mesh = plsc.VectorSubcoreMesh(core_axis_name="c", subcore_axis_name="s")


@functools.partial(
    pl.kernel,
    mesh=_mesh,
    out_type=jax.ShapeDtypeStruct((_B, _N), jnp.int32),
    compiler_params=pltpu.CompilerParams(needs_layout_passes=False),
    scratch_types=[
        pltpu.VMEM((_TILES, _ROWS, 128), jnp.float32),
        pltpu.VMEM((_TILES, _ROWS, 128), jnp.int32),
        pltpu.VMEM((_B, _M), jnp.int32),
        pltpu.VMEM((_TILES, _ROWS, 128), jnp.int32),
        pltpu.SemaphoreType.DMA,
        pltpu.SemaphoreType.DMA,
        pltpu.SemaphoreType.DMA,
        pltpu.SemaphoreType.DMA,
    ],
)
def _encode(samples_hbm, matches_hbm, refs_hbm, out_hbm,
            s_v, m_v, r_v, o_v, sem_s, sem_m, sem_r, sem_o):
    wid = lax.axis_index("s") * 2 + lax.axis_index("c")
    band = wid // 16
    col_w = wid % 16
    r0 = band * _ROWS
    c0 = col_w * (_TILES * 128)
    ntiles = jnp.where(col_w == 15, _TILES_LAST, _TILES)

    cp_r = pltpu.async_copy(refs_hbm, r_v, sem_r)

    def _issue(j, _):
        src = pl.ds(c0 + j * 128, 128)
        pltpu.async_copy(samples_hbm.at[pl.ds(r0, _ROWS), src], s_v.at[j], sem_s)
        pltpu.async_copy(matches_hbm.at[pl.ds(r0, _ROWS), src], m_v.at[j], sem_m)
        return ()

    lax.fori_loop(0, ntiles, _issue, ())
    cp_r.wait()

    @plsc.parallel_loop(0, ntiles, 1, unroll=2)
    def _tile(j):
        pltpu.make_async_copy(
            samples_hbm.at[pl.ds(r0, _ROWS), pl.ds(c0, 128)], s_v.at[j], sem_s
        ).wait()
        pltpu.make_async_copy(
            matches_hbm.at[pl.ds(r0, _ROWS), pl.ds(c0, 128)], m_v.at[j], sem_m
        ).wait()

        @plsc.parallel_loop(0, _ROWS * 128, _L, unroll=8)
        def _body(i):
            r = i >> 7
            sl = pl.ds(i & 127, _L)
            b_vec = jnp.full((_L,), r0 + r, jnp.int32)
            mi = jnp.clip(m_v[j, r, sl], 0, _M - 1)
            t = plsc.load_gather(r_v, [b_vec, mi]) + 1
            s = s_v[j, r, sl]
            o_v[j, r, sl] = jnp.where(s > 0.5, t,
                                      jnp.where(s < -0.5,
                                                jnp.zeros_like(t),
                                                jnp.full_like(t, -1)))

        pltpu.async_copy(
            o_v.at[j], out_hbm.at[pl.ds(r0, _ROWS), pl.ds(c0 + j * 128, 128)],
            sem_o)

    def _drain(j, _):
        pltpu.make_async_copy(
            o_v.at[j], out_hbm.at[pl.ds(r0, _ROWS), pl.ds(c0, 128)], sem_o
        ).wait()
        return ()

    lax.fori_loop(0, ntiles, _drain, ())


def kernel(samples, matches, refs):
    return _encode(samples, matches.astype(jnp.int32), refs.astype(jnp.int32))

# --- scband reference (transcript-rebuilt; emitter-appended) ---
"""Pipeline reference for scband-multi-class-encoder-36567351558165 (READ-ONLY COPY).

The authoritative reference and input builder live on the scoring server;
editing this copy changes nothing except your own understanding.
"""

import jax, jax.numpy as jnp
import numpy as np


def setup_inputs(seed: int = 0) -> dict:
    key = jax.random.key(seed)
    k1, k2, k3 = jax.random.split(key, 3)
    B, N, M, NUM_FG = 16, 20000, 100, 80
    # samples ~ randn: >0.5 positive, <-0.5 negative, middle ignored
    samples = jax.random.normal(k1, (B, N), dtype=jnp.float32)
    matches = jax.random.randint(k2, (B, N), 0, M).astype(jnp.int64)
    refs = jax.random.randint(k3, (B, M), 0, NUM_FG).astype(jnp.int64)
    return {"samples": samples, "matches": matches, "refs": refs}


def reference(samples, matches, refs):
    ignore_label = -1
    n = matches.shape[1]
    m = refs.shape[1]
    # refs.unsqueeze(1).repeat(1, n, 1) -> broadcast to (B, N, M) (same math, no copy)
    refs_exp = jnp.broadcast_to(refs[:, None, :], (refs.shape[0], n, m))
    # torch.gather(refs, 2, matches.clamp(0, m).unsqueeze(2)).squeeze(2) + 1
    idx = jnp.clip(matches, 0, m)[..., None]
    target_ids = jnp.take_along_axis(refs_exp, idx, axis=2)[..., 0] + 1
    # positives -> class id + 1; non-positives -> ignore_label
    targets = jnp.where(samples > 0.5, target_ids, jnp.ones_like(target_ids) * ignore_label)
    # negatives -> background (0)
    targets = jnp.where(samples < -0.5, jnp.zeros_like(targets), targets)
    return targets

if __name__ == "__main__":
    import jax
    _d = setup_inputs()
    print(jax.jit(kernel)(*tuple(_d.values())))

</pallas_src>

<mosaic_0001>
#map = affine_map<(d0, d1) -> (0, 0)>
module attributes {stable_mosaic.version = 14 : i64} {
  func.func @_encode(%arg0: i32, %arg1: i32, %arg2: memref<16x20000xf32, #tpu.memory_space<hbm>>, %arg3: memref<16x20000xi32, #tpu.memory_space<hbm>>, %arg4: memref<16x100xi32, #tpu.memory_space<hbm>>, %arg5: memref<16x20000xi32, #tpu.memory_space<hbm>>, %arg6: memref<10x8x128xf32, #tpu.memory_space<vmem>>, %arg7: memref<10x8x128xi32, #tpu.memory_space<vmem>>, %arg8: memref<16x100xi32, #tpu.memory_space<vmem>>, %arg9: memref<10x8x128xi32, #tpu.memory_space<vmem>>, %arg10: memref<!tpu.dma_semaphore, #tpu.memory_space<semaphore_mem>>, %arg11: memref<!tpu.dma_semaphore, #tpu.memory_space<semaphore_mem>>, %arg12: memref<!tpu.dma_semaphore, #tpu.memory_space<semaphore_mem>>, %arg13: memref<!tpu.dma_semaphore, #tpu.memory_space<semaphore_mem>>) attributes {dimension_semantics = [#tpu.dimension_semantics<core_parallel>, #tpu.dimension_semantics<subcore_parallel>], iteration_bounds = array<i64: 2, 16>, scalar_prefetch = 0 : i64, scratch_operands = 8 : i64, tpu.core_type = #tpu.core_type<sc_vector_subcore>, window_params = [{transform_indices = #map}, {transform_indices = #map}, {transform_indices = #map}, {transform_indices = #map}]} {
    %mul3A = arith.constant 2 : i32
    %mul3A_0 = arith.muli %arg1, %mul3A : i32
    %add3A = arith.addi %mul3A_0, %arg0 : i32
    %jit3A = arith.constant 16 : i32
    %div3A = arith.divsi %add3A, %jit3A : i32
    %sign3A = arith.constant 0 : i32
    %sign3A_1 = arith.cmpi sgt, %add3A, %sign3A : i32
    %sign3A_2 = arith.extui %sign3A_1 : i1 to i32
    %sign3A_3 = arith.constant 0 : i32
    %sign3A_4 = arith.cmpi slt, %add3A, %sign3A_3 : i32
    %sign3A_5 = arith.extui %sign3A_4 : i1 to i32
    %sign3A_6 = arith.subi %sign3A_2, %sign3A_5 : i32
    %sign3A_7 = arith.constant 0 : i32
    %sign3A_8 = arith.cmpi sgt, %jit3A, %sign3A_7 : i32
    %sign3A_9 = arith.extui %sign3A_8 : i1 to i32
    %sign3A_10 = arith.constant 0 : i32
    %sign3A_11 = arith.cmpi slt, %jit3A, %sign3A_10 : i32
    %sign3A_12 = arith.extui %sign3A_11 : i1 to i32
    %sign3A_13 = arith.subi %sign3A_9, %sign3A_12 : i32
    %ne3A = arith.cmpi ne, %sign3A_6, %sign3A_13 : i32
    %rem3A = arith.remsi %add3A, %jit3A : i32
    %ne3A_14 = arith.constant 0 : i32
    %ne3A_15 = arith.cmpi ne, %rem3A, %ne3A_14 : i32
    %and3A = arith.andi %ne3A, %ne3A_15 : i1
    %sub3A = arith.constant 1 : i32
    %sub3A_16 = arith.subi %div3A, %sub3A : i32
    %select_n3A = arith.select %and3A, %sub3A_16, %div3A : i32
    %jit3A_17 = arith.constant 16 : i32
    %eq3A = arith.constant 0 : i32
    %eq3A_18 = arith.cmpi eq, %jit3A_17, %eq3A : i32
    %jit3A_19 = arith.constant 1 : i32
    %select_n3A_20 = arith.select %eq3A_18, %jit3A_19, %jit3A_17 : i32
    %rem3A_21 = arith.remsi %add3A, %select_n3A_20 : i32
    %ne3A_22 = arith.constant 0 : i32
    %ne3A_23 = arith.cmpi ne, %rem3A_21, %ne3A_22 : i32
    %lt3A = arith.constant 0 : i32
    %lt3A_24 = arith.cmpi slt, %rem3A_21, %lt3A : i32
    %lt3A_25 = arith.constant 0 : i32
    %lt3A_26 = arith.cmpi slt, %select_n3A_20, %lt3A_25 : i32
    %ne3A_27 = arith.xori %lt3A_24, %lt3A_26 : i1
    %and3A_28 = arith.andi %ne3A_27, %ne3A_23 : i1
    %add3A_29 = arith.addi %rem3A_21, %select_n3A_20 : i32
    %select_n3A_30 = arith.select %and3A_28, %add3A_29, %rem3A_21 : i32
    %mul3A_31 = arith.constant 8 : i32
    %mul3A_32 = arith.muli %select_n3A, %mul3A_31 : i32
    %mul3A_33 = arith.constant 1280 : i32
    %mul3A_34 = arith.muli %select_n3A_30, %mul3A_33 : i32
    %eq3A_35 = arith.constant 15 : i32
    %eq3A_36 = arith.cmpi eq, %select_n3A_30, %eq3A_35 : i32
    %jit3A_37 = arith.constant 7 : i32
    %jit3A_38 = arith.constant 10 : i32
    %select_n3A_39 = arith.select %eq3A_36, %jit3A_37, %jit3A_38 : i32
    tpu.enqueue_dma source(%arg4 : memref<16x100xi32, #tpu.memory_space<hbm>>) target(%arg8 : memref<16x100xi32, #tpu.memory_space<vmem>>) target_semaphore(%arg12 : memref<!tpu.dma_semaphore, #tpu.memory_space<semaphore_mem>>)
    %while3A = arith.constant 0 : i32
    %while3A_40 = arith.subi %select_n3A_39, %while3A : i32
    %while3A_41 = arith.addi %while3A, %while3A_40 : i32
    %while3A_42 = arith.constant 1 : i32
    %while3A_43 = arith.divsi %while3A_40, %while3A_42 : i32
    %while3A_44 = arith.muli %while3A_43, %while3A_42 : i32
    %while3A_45 = arith.addi %while3A, %while3A_44 : i32
    %while3A_46 = arith.constant 1 : i32
    scf.for %while3A_58 = %while3A to %while3A_45 step %while3A_46  : i32 {
      %mul3A_59 = arith.constant 128 : i32
      %mul3A_60 = arith.muli %while3A_58, %mul3A_59 : i32
      %add3A_61 = arith.addi %mul3A_34, %mul3A_60 : i32
      %dma_start3A = arith.constant 0 : i32
      %dma_start3A_62 = arith.constant 0 : i32
      %dma_start3A_63 = tpu.memref_slice %arg6[%while3A_58, %dma_start3A, %dma_start3A_62] : memref<10x8x128xf32, #tpu.memory_space<vmem>> -> memref<1x8x128xf32, #tpu.memory_space<vmem>>
      %dma_start3A_64 = tpu.memref_squeeze %dma_start3A_63 : memref<1x8x128xf32, #tpu.memory_space<vmem>> -> memref<8x128xf32, #tpu.memory_space<vmem>>
      %dma_start3A_65 = tpu.memref_slice %arg2[%mul3A_32, %add3A_61] : memref<16x20000xf32, #tpu.memory_space<hbm>> -> memref<8x128xf32, #tpu.memory_space<hbm>>
      %dma_start3A_66 = arith.constant 0 : i32
      %dma_start3A_67 = arith.constant 0 : i32
      %dma_start3A_68 = tpu.memref_slice %arg6[%while3A_58, %dma_start3A_66, %dma_start3A_67] : memref<10x8x128xf32, #tpu.memory_space<vmem>> -> memref<1x8x128xf32, #tpu.memory_space<vmem>>
      %dma_start3A_69 = tpu.memref_squeeze %dma_start3A_68 : memref<1x8x128xf32, #tpu.memory_space<vmem>> -> memref<8x128xf32, #tpu.memory_space<vmem>>
      %dma_start3A_70 = tpu.memref_slice %arg2[%mul3A_32, %add3A_61] : memref<16x20000xf32, #tpu.memory_space<hbm>> -> memref<8x128xf32, #tpu.memory_space<hbm>>
      tpu.enqueue_dma source(%dma_start3A_70 : memref<8x128xf32, #tpu.memory_space<hbm>>) target(%dma_start3A_69 : memref<8x128xf32, #tpu.memory_space<vmem>>) target_semaphore(%arg10 : memref<!tpu.dma_semaphore, #tpu.memory_space<semaphore_mem>>)
      %dma_start3A_71 = arith.constant 0 : i32
      %dma_start3A_72 = arith.constant 0 : i32
      %dma_start3A_73 = tpu.memref_slice %arg7[%while3A_58, %dma_start3A_71, %dma_start3A_72] : memref<10x8x128xi32, #tpu.memory_space<vmem>> -> memref<1x8x128xi32, #tpu.memory_space<vmem>>
      %dma_start3A_74 = tpu.memref_squeeze %dma_start3A_73 : memref<1x8x128xi32, #tpu.memory_space<vmem>> -> memref<8x128xi32, #tpu.memory_space<vmem>>
      %dma_start3A_75 = tpu.memref_slice %arg3[%mul3A_32, %add3A_61] : memref<16x20000xi32, #tpu.memory_space<hbm>> -> memref<8x128xi32, #tpu.memory_space<hbm>>
      %dma_start3A_76 = arith.constant 0 : i32
      %dma_start3A_77 = arith.constant 0 : i32
      %dma_start3A_78 = tpu.memref_slice %arg7[%while3A_58, %dma_start3A_76, %dma_start3A_77] : memref<10x8x128xi32, #tpu.memory_space<vmem>> -> memref<1x8x128xi32, #tpu.memory_space<vmem>>
      %dma_start3A_79 = tpu.memref_squeeze %dma_start3A_78 : memref<1x8x128xi32, #tpu.memory_space<vmem>> -> memref<8x128xi32, #tpu.memory_space<vmem>>
      %dma_start3A_80 = tpu.memref_slice %arg3[%mul3A_32, %add3A_61] : memref<16x20000xi32, #tpu.memory_space<hbm>> -> memref<8x128xi32, #tpu.memory_space<hbm>>
      tpu.enqueue_dma source(%dma_start3A_80 : memref<8x128xi32, #tpu.memory_space<hbm>>) target(%dma_start3A_79 : memref<8x128xi32, #tpu.memory_space<vmem>>) target_semaphore(%arg11 : memref<!tpu.dma_semaphore, #tpu.memory_space<semaphore_mem>>)
    }
    %while3A_47 = arith.constant 1 : i32
    scf.for %while3A_58 = %while3A_45 to %while3A_41 step %while3A_47  : i32 {
      %mul3A_59 = arith.constant 128 : i32
      %mul3A_60 = arith.muli %while3A_58, %mul3A_59 : i32
      %add3A_61 = arith.addi %mul3A_34, %mul3A_60 : i32
      %dma_start3A = arith.constant 0 : i32
      %dma_start3A_62 = arith.constant 0 : i32
      %dma_start3A_63 = tpu.memref_slice %arg6[%while3A_58, %dma_start3A, %dma_start3A_62] : memref<10x8x128xf32, #tpu.memory_space<vmem>> -> memref<1x8x128xf32, #tpu.memory_space<vmem>>
      %dma_start3A_64 = tpu.memref_squeeze %dma_start3A_63 : memref<1x8x128xf32, #tpu.memory_space<vmem>> -> memref<8x128xf32, #tpu.memory_space<vmem>>
      %dma_start3A_65 = tpu.memref_slice %arg2[%mul3A_32, %add3A_61] : memref<16x20000xf32, #tpu.memory_space<hbm>> -> memref<8x128xf32, #tpu.memory_space<hbm>>
      %dma_start3A_66 = arith.constant 0 : i32
      %dma_start3A_67 = arith.constant 0 : i32
      %dma_start3A_68 = tpu.memref_slice %arg6[%while3A_58, %dma_start3A_66, %dma_start3A_67] : memref<10x8x128xf32, #tpu.memory_space<vmem>> -> memref<1x8x128xf32, #tpu.memory_space<vmem>>
      %dma_start3A_69 = tpu.memref_squeeze %dma_start3A_68 : memref<1x8x128xf32, #tpu.memory_space<vmem>> -> memref<8x128xf32, #tpu.memory_space<vmem>>
      %dma_start3A_70 = tpu.memref_slice %arg2[%mul3A_32, %add3A_61] : memref<16x20000xf32, #tpu.memory_space<hbm>> -> memref<8x128xf32, #tpu.memory_space<hbm>>
      tpu.enqueue_dma source(%dma_start3A_70 : memref<8x128xf32, #tpu.memory_space<hbm>>) target(%dma_start3A_69 : memref<8x128xf32, #tpu.memory_space<vmem>>) target_semaphore(%arg10 : memref<!tpu.dma_semaphore, #tpu.memory_space<semaphore_mem>>)
      %dma_start3A_71 = arith.constant 0 : i32
      %dma_start3A_72 = arith.constant 0 : i32
      %dma_start3A_73 = tpu.memref_slice %arg7[%while3A_58, %dma_start3A_71, %dma_start3A_72] : memref<10x8x128xi32, #tpu.memory_space<vmem>> -> memref<1x8x128xi32, #tpu.memory_space<vmem>>
      %dma_start3A_74 = tpu.memref_squeeze %dma_start3A_73 : memref<1x8x128xi32, #tpu.memory_space<vmem>> -> memref<8x128xi32, #tpu.memory_space<vmem>>
      %dma_start3A_75 = tpu.memref_slice %arg3[%mul3A_32, %add3A_61] : memref<16x20000xi32, #tpu.memory_space<hbm>> -> memref<8x128xi32, #tpu.memory_space<hbm>>
      %dma_start3A_76 = arith.constant 0 : i32
      %dma_start3A_77 = arith.constant 0 : i32
      %dma_start3A_78 = tpu.memref_slice %arg7[%while3A_58, %dma_start3A_76, %dma_start3A_77] : memref<10x8x128xi32, #tpu.memory_space<vmem>> -> memref<1x8x128xi32, #tpu.memory_space<vmem>>
      %dma_start3A_79 = tpu.memref_squeeze %dma_start3A_78 : memref<1x8x128xi32, #tpu.memory_space<vmem>> -> memref<8x128xi32, #tpu.memory_space<vmem>>
      %dma_start3A_80 = tpu.memref_slice %arg3[%mul3A_32, %add3A_61] : memref<16x20000xi32, #tpu.memory_space<hbm>> -> memref<8x128xi32, #tpu.memory_space<hbm>>
      tpu.enqueue_dma source(%dma_start3A_80 : memref<8x128xi32, #tpu.memory_space<hbm>>) target(%dma_start3A_79 : memref<8x128xi32, #tpu.memory_space<vmem>>) target_semaphore(%arg11 : memref<!tpu.dma_semaphore, #tpu.memory_space<semaphore_mem>>)
    }
    tpu.wait_dma2 semaphore(%arg12 : memref<!tpu.dma_semaphore, #tpu.memory_space<semaphore_mem>>) src(%arg4 : memref<16x100xi32, #tpu.memory_space<hbm>>) dst(%arg8 : memref<16x100xi32, #tpu.memory_space<vmem>>)
    %parallel_loop3A = arith.constant 0 : i32
    %parallel_loop3A_48 = arith.constant 1 : i32
    scf.for %parallel_loop3A_58 = %parallel_loop3A to %select_n3A_39 step %parallel_loop3A_48  : i32 {
      %parallel_loop3A_59 = arith.constant 0 : i32
      %parallel_loop3A_60 = arith.constant 0 : i32
      %parallel_loop3A_61 = tpu.memref_slice %arg6[%parallel_loop3A_58, %parallel_loop3A_59, %parallel_loop3A_60] : memref<10x8x128xf32, #tpu.memory_space<vmem>> -> memref<1x8x128xf32, #tpu.memory_space<vmem>>
      %parallel_loop3A_62 = tpu.memref_squeeze %parallel_loop3A_61 : memref<1x8x128xf32, #tpu.memory_space<vmem>> -> memref<8x128xf32, #tpu.memory_space<vmem>>
      %parallel_loop3A_63 = tpu.memref_slice %arg2[%mul3A_32, %mul3A_34] : memref<16x20000xf32, #tpu.memory_space<hbm>> -> memref<8x128xf32, #tpu.memory_space<hbm>>
      %parallel_loop3A_64 = arith.constant 0 : i32
      %parallel_loop3A_65 = arith.constant 0 : i32
      %parallel_loop3A_66 = tpu.memref_slice %arg6[%parallel_loop3A_58, %parallel_loop3A_64, %parallel_loop3A_65] : memref<10x8x128xf32, #tpu.memory_space<vmem>> -> memref<1x8x128xf32, #tpu.memory_space<vmem>>
      %parallel_loop3A_67 = tpu.memref_squeeze %parallel_loop3A_66 : memref<1x8x128xf32, #tpu.memory_space<vmem>> -> memref<8x128xf32, #tpu.memory_space<vmem>>
      %parallel_loop3A_68 = tpu.memref_slice %arg2[%mul3A_32, %mul3A_34] : memref<16x20000xf32, #tpu.memory_space<hbm>> -> memref<8x128xf32, #tpu.memory_space<hbm>>
      tpu.wait_dma2 semaphore(%arg10 : memref<!tpu.dma_semaphore, #tpu.memory_space<semaphore_mem>>) src(%parallel_loop3A_68 : memref<8x128xf32, #tpu.memory_space<hbm>>) dst(%parallel_loop3A_67 : memref<8x128xf32, #tpu.memory_space<vmem>>)
      %parallel_loop3A_69 = arith.constant 0 : i32
      %parallel_loop3A_70 = arith.constant 0 : i32
      %parallel_loop3A_71 = tpu.memref_slice %arg7[%parallel_loop3A_58, %parallel_loop3A_69, %parallel_loop3A_70] : memref<10x8x128xi32, #tpu.memory_space<vmem>> -> memref<1x8x128xi32, #tpu.memory_space<vmem>>
      %parallel_loop3A_72 = tpu.memref_squeeze %parallel_loop3A_71 : memref<1x8x128xi32, #tpu.memory_space<vmem>> -> memref<8x128xi32, #tpu.memory_space<vmem>>
      %parallel_loop3A_73 = tpu.memref_slice %arg3[%mul3A_32, %mul3A_34] : memref<16x20000xi32, #tpu.memory_space<hbm>> -> memref<8x128xi32, #tpu.memory_space<hbm>>
      %parallel_loop3A_74 = arith.constant 0 : i32
      %parallel_loop3A_75 = arith.constant 0 : i32
      %parallel_loop3A_76 = tpu.memref_slice %arg7[%parallel_loop3A_58, %parallel_loop3A_74, %parallel_loop3A_75] : memref<10x8x128xi32, #tpu.memory_space<vmem>> -> memref<1x8x128xi32, #tpu.memory_space<vmem>>
      %parallel_loop3A_77 = tpu.memref_squeeze %parallel_loop3A_76 : memref<1x8x128xi32, #tpu.memory_space<vmem>> -> memref<8x128xi32, #tpu.memory_space<vmem>>
      %parallel_loop3A_78 = tpu.memref_slice %arg3[%mul3A_32, %mul3A_34] : memref<16x20000xi32, #tpu.memory_space<hbm>> -> memref<8x128xi32, #tpu.memory_space<hbm>>
      tpu.wait_dma2 semaphore(%arg11 : memref<!tpu.dma_semaphore, #tpu.memory_space<semaphore_mem>>) src(%parallel_loop3A_78 : memref<8x128xi32, #tpu.memory_space<hbm>>) dst(%parallel_loop3A_77 : memref<8x128xi32, #tpu.memory_space<vmem>>)
      %parallel_loop3A_79 = arith.constant 0 : i32
      %parallel_loop3A_80 = arith.constant 1024 : i32
      %parallel_loop3A_81 = arith.constant 16 : i32
      scf.for %parallel_loop3A_95 = %parallel_loop3A_79 to %parallel_loop3A_80 step %parallel_loop3A_81  : i32 {
        %parallel_loop3A_96 = arith.constant 7 : i32
        %parallel_loop3A_97 = arith.shrsi %parallel_loop3A_95, %parallel_loop3A_96 : i32
        %parallel_loop3A_98 = arith.constant 127 : i32
        %parallel_loop3A_99 = arith.andi %parallel_loop3A_95, %parallel_loop3A_98 : i32
        %parallel_loop3A_100 = arith.addi %mul3A_32, %parallel_loop3A_97 : i32
        %parallel_loop3A_101 = vector.broadcast %parallel_loop3A_100 : i32 to vector<16xi32>
        %parallel_loop3A_102 = arith.index_cast %parallel_loop3A_58 : i32 to index
        %parallel_loop3A_103 = arith.index_cast %parallel_loop3A_97 : i32 to index
        %parallel_loop3A_104 = arith.index_cast %parallel_loop3A_99 : i32 to index
        %parallel_loop3A_105 = tpu.vector_load %arg7[%parallel_loop3A_102, %parallel_loop3A_103, %parallel_loop3A_104] {strides = array<i32>} : memref<10x8x128xi32, #tpu.memory_space<vmem>>, vector<16xi32>,
        %parallel_loop3A_106 = arith.constant 0 : i32
        %parallel_loop3A_107 = arith.constant 99 : i32
        %parallel_loop3A_108 = vector.broadcast %parallel_loop3A_106 : i32 to vector<16xi32>
        %parallel_loop3A_109 = arith.maxsi %parallel_loop3A_108, %parallel_loop3A_105 : vector<16xi32>
        %parallel_loop3A_110 = vector.broadcast %parallel_loop3A_107 : i32 to vector<16xi32>
        %parallel_loop3A_111 = arith.minsi %parallel_loop3A_110, %parallel_loop3A_109 : vector<16xi32>
        %parallel_loop3A_112 = tpu.vector_load_idx %arg8[%parallel_loop3A_101, %parallel_loop3A_111] : memref<16x100xi32, #tpu.memory_space<vmem>>[vector<16xi32>, vector<16xi32>], vector<16xi32>,
        %parallel_loop3A_113 = arith.constant 1 : i32
        %parallel_loop3A_114 = vector.broadcast %parallel_loop3A_113 : i32 to vector<16xi32>
        %parallel_loop3A_115 = arith.addi %parallel_loop3A_112, %parallel_loop3A_114 : vector<16xi32>
        %parallel_loop3A_116 = arith.index_cast %parallel_loop3A_58 : i32 to index
        %parallel_loop3A_117 = arith.index_cast %parallel_loop3A_97 : i32 to index
        %parallel_loop3A_118 = arith.index_cast %parallel_loop3A_99 : i32 to index
        %parallel_loop3A_119 = tpu.vector_load %arg6[%parallel_loop3A_116, %parallel_loop3A_117, %parallel_loop3A_118] {strides = array<i32>} : memref<10x8x128xf32, #tpu.memory_space<vmem>>, vector<16xf32>,
        %parallel_loop3A_120 = arith.constant 5.000000e-01 : f32
        %parallel_loop3A_121 = vector.broadcast %parallel_loop3A_120 : f32 to vector<16xf32>
        %parallel_loop3A_122 = arith.cmpf ogt, %parallel_loop3A_119, %parallel_loop3A_121 : vector<16xf32>
        %parallel_loop3A_123 = arith.constant -5.000000e-01 : f32
        %parallel_loop3A_124 = vector.broadcast %parallel_loop3A_123 : f32 to vector<16xf32>
        %parallel_loop3A_125 = arith.cmpf olt, %parallel_loop3A_119, %parallel_loop3A_124 : vector<16xf32>
        %parallel_loop3A_126 = arith.constant 0 : i32
        %parallel_loop3A_127 = vector.broadcast %parallel_loop3A_126 : i32 to vector<16xi32>
        %parallel_loop3A_128 = arith.constant -1 : i32
        %parallel_loop3A_129 = vector.broadcast %parallel_loop3A_128 : i32 to vector<16xi32>
        %parallel_loop3A_130 = arith.select %parallel_loop3A_125, %parallel_loop3A_127, %parallel_loop3A_129 : vector<16xi1>, vector<16xi32>
        %parallel_loop3A_131 = arith.select %parallel_loop3A_122, %parallel_loop3A_115, %parallel_loop3A_130 : vector<16xi1>, vector<16xi32>
        %parallel_loop3A_132 = arith.index_cast %parallel_loop3A_58 : i32 to index
        %parallel_loop3A_133 = arith.index_cast %parallel_loop3A_97 : i32 to index
        %parallel_loop3A_134 = arith.index_cast %parallel_loop3A_99 : i32 to index
        %parallel_loop3A_135 = tpu.vector_load %arg9[%parallel_loop3A_132, %parallel_loop3A_133, %parallel_loop3A_134] {strides = array<i32>} : memref<10x8x128xi32, #tpu.memory_space<vmem>>, vector<16xi32>,
        tpu.vector_store %arg9[%parallel_loop3A_132, %parallel_loop3A_133, %parallel_loop3A_134], %parallel_loop3A_131 {strides = array<i32>} : memref<10x8x128xi32, #tpu.memory_space<vmem>>, vector<16xi32>,
      } {sc.loop_unroll_factor = 8 : i64, sc.parallel_access}
      %parallel_loop3A_82 = arith.constant 128 : i32
      %parallel_loop3A_83 = arith.muli %parallel_loop3A_58, %parallel_loop3A_82 : i32
      %parallel_loop3A_84 = arith.addi %mul3A_34, %parallel_loop3A_83 : i32
      %parallel_loop3A_85 = arith.constant 0 : i32
      %parallel_loop3A_86 = arith.constant 0 : i32
      %parallel_loop3A_87 = tpu.memref_slice %arg9[%parallel_loop3A_58, %parallel_loop3A_85, %parallel_loop3A_86] : memref<10x8x128xi32, #tpu.memory_space<vmem>> -> memref<1x8x128xi32, #tpu.memory_space<vmem>>
      %parallel_loop3A_88 = tpu.memref_squeeze %parallel_loop3A_87 : memref<1x8x128xi32, #tpu.memory_space<vmem>> -> memref<8x128xi32, #tpu.memory_space<vmem>>
      %parallel_loop3A_89 = tpu.memref_slice %arg5[%mul3A_32, %parallel_loop3A_84] : memref<16x20000xi32, #tpu.memory_space<hbm>> -> memref<8x128xi32, #tpu.memory_space<hbm>>
      %parallel_loop3A_90 = tpu.memref_slice %arg5[%mul3A_32, %parallel_loop3A_84] : memref<16x20000xi32, #tpu.memory_space<hbm>> -> memref<8x128xi32, #tpu.memory_space<hbm>>
      %parallel_loop3A_91 = arith.constant 0 : i32
      %parallel_loop3A_92 = arith.constant 0 : i32
      %parallel_loop3A_93 = tpu.memref_slice %arg9[%parallel_loop3A_58, %parallel_loop3A_91, %parallel_loop3A_92] : memref<10x8x128xi32, #tpu.memory_space<vmem>> -> memref<1x8x128xi32, #tpu.memory_space<vmem>>
      %parallel_loop3A_94 = tpu.memref_squeeze %parallel_loop3A_93 : memref<1x8x128xi32, #tpu.memory_space<vmem>> -> memref<8x128xi32, #tpu.memory_space<vmem>>
      tpu.enqueue_dma source(%parallel_loop3A_94 : memref<8x128xi32, #tpu.memory_space<vmem>>) target(%parallel_loop3A_90 : memref<8x128xi32, #tpu.memory_space<hbm>>) target_semaphore(%arg13 : memref<!tpu.dma_semaphore, #tpu.memory_space<semaphore_mem>>)
    } {sc.loop_unroll_factor = 2 : i64, sc.parallel_access}
    %while3A_49 = arith.constant 0 : i32
    %while3A_50 = arith.subi %select_n3A_39, %while3A_49 : i32
    %while3A_51 = arith.addi %while3A_49, %while3A_50 : i32
    %while3A_52 = arith.constant 1 : i32
    %while3A_53 = arith.divsi %while3A_50, %while3A_52 : i32
    %while3A_54 = arith.muli %while3A_53, %while3A_52 : i32
    %while3A_55 = arith.addi %while3A_49, %while3A_54 : i32
    %while3A_56 = arith.constant 1 : i32
    scf.for %while3A_58 = %while3A_49 to %while3A_55 step %while3A_56  : i32 {
      %dma_wait3A = arith.constant 0 : i32
      %dma_wait3A_59 = arith.constant 0 : i32
      %dma_wait3A_60 = tpu.memref_slice %arg9[%while3A_58, %dma_wait3A, %dma_wait3A_59] : memref<10x8x128xi32, #tpu.memory_space<vmem>> -> memref<1x8x128xi32, #tpu.memory_space<vmem>>
      %dma_wait3A_61 = tpu.memref_squeeze %dma_wait3A_60 : memref<1x8x128xi32, #tpu.memory_space<vmem>> -> memref<8x128xi32, #tpu.memory_space<vmem>>
      %dma_wait3A_62 = tpu.memref_slice %arg5[%mul3A_32, %mul3A_34] : memref<16x20000xi32, #tpu.memory_space<hbm>> -> memref<8x128xi32, #tpu.memory_space<hbm>>
      %dma_wait3A_63 = tpu.memref_slice %arg5[%mul3A_32, %mul3A_34] : memref<16x20000xi32, #tpu.memory_space<hbm>> -> memref<8x128xi32, #tpu.memory_space<hbm>>
      %dma_wait3A_64 = arith.constant 0 : i32
      %dma_wait3A_65 = arith.constant 0 : i32
      %dma_wait3A_66 = tpu.memref_slice %arg9[%while3A_58, %dma_wait3A_64, %dma_wait3A_65] : memref<10x8x128xi32, #tpu.memory_space<vmem>> -> memref<1x8x128xi32, #tpu.memory_space<vmem>>
      %dma_wait3A_67 = tpu.memref_squeeze %dma_wait3A_66 : memref<1x8x128xi32, #tpu.memory_space<vmem>> -> memref<8x128xi32, #tpu.memory_space<vmem>>
      tpu.wait_dma2 semaphore(%arg13 : memref<!tpu.dma_semaphore, #tpu.memory_space<semaphore_mem>>) src(%dma_wait3A_67 : memref<8x128xi32, #tpu.memory_space<vmem>>) dst(%dma_wait3A_63 : memref<8x128xi32, #tpu.memory_space<hbm>>)
    }
    %while3A_57 = arith.constant 1 : i32
    scf.for %while3A_58 = %while3A_55 to %while3A_51 step %while3A_57  : i32 {
      %dma_wait3A = arith.constant 0 : i32
      %dma_wait3A_59 = arith.constant 0 : i32
      %dma_wait3A_60 = tpu.memref_slice %arg9[%while3A_58, %dma_wait3A, %dma_wait3A_59] : memref<10x8x128xi32, #tpu.memory_space<vmem>> -> memref<1x8x128xi32, #tpu.memory_space<vmem>>
      %dma_wait3A_61 = tpu.memref_squeeze %dma_wait3A_60 : memref<1x8x128xi32, #tpu.memory_space<vmem>> -> memref<8x128xi32, #tpu.memory_space<vmem>>
      %dma_wait3A_62 = tpu.memref_slice %arg5[%mul3A_32, %mul3A_34] : memref<16x20000xi32, #tpu.memory_space<hbm>> -> memref<8x128xi32, #tpu.memory_space<hbm>>
      %dma_wait3A_63 = tpu.memref_slice %arg5[%mul3A_32, %mul3A_34] : memref<16x20000xi32, #tpu.memory_space<hbm>> -> memref<8x128xi32, #tpu.memory_space<hbm>>
      %dma_wait3A_64 = arith.constant 0 : i32
      %dma_wait3A_65 = arith.constant 0 : i32
      %dma_wait3A_66 = tpu.memref_slice %arg9[%while3A_58, %dma_wait3A_64, %dma_wait3A_65] : memref<10x8x128xi32, #tpu.memory_space<vmem>> -> memref<1x8x128xi32, #tpu.memory_space<vmem>>
      %dma_wait3A_67 = tpu.memref_squeeze %dma_wait3A_66 : memref<1x8x128xi32, #tpu.memory_space<vmem>> -> memref<8x128xi32, #tpu.memory_space<vmem>>
      tpu.wait_dma2 semaphore(%arg13 : memref<!tpu.dma_semaphore, #tpu.memory_space<semaphore_mem>>) src(%dma_wait3A_67 : memref<8x128xi32, #tpu.memory_space<vmem>>) dst(%dma_wait3A_63 : memref<8x128xi32, #tpu.memory_space<hbm>>)
    }
    return
  }
}

</mosaic_0001>

<sc_bundles>
// kernel: kernel.3.cloned.1.call-start
scs
__scs_entry_jumppad:
0x0: {  	(pc) =	sbr.rel $0x88, $3  }
0x1: {  	(tag) =	ssettag $0x0;
	lr =	simm.s32 $0x1  }
0x2: {  	[smem:$0x3F9E] =	sst lr;
	_ =	strace $0xD0000000  }
0x3: {  	_ = 	snop  }
0x4: {  	_ = 	snop  }
0x5: {  	_ = 	snop  }
0x6: {  	_ = 	snop  }
0x7: {  	_ = 	snop  }
__scs_overlays_trampoline_lowered:
0x8: {  	[smem:$0x3FAD] =	sst s0  }
0x9: {  	[smem:$0x3FAE] =	sst s1  }
0xa: {  	[smem:$0x3FAF] =	sst s2  }
0xb: {  	[smem:$0x3FB0] =	sst s3  }
0xc: {  	[smem:$0x3FB1] =	sst s4  }
0xd: {  	[smem:$0x3FB2] =	sst s5  }
0xe: {  	[smem:$0x3FB3] =	sst s6  }
0xf: {  	[smem:$0x3FB4] =	sst s7  }
0x10: {  	[smem:$0x3FB5] =	sst s8  }
0x11: {  	[smem:$0x3FB6] =	sst s9;
	s0 =	simm.s32 @!p0 $0x0  }
0x12: {  	s1 =	sld [smem:$0x3F9C];
	s0 =	simm.s32 @p0 $0x1  }
0x13: {  	[smem:$0x3FB7] =	sst s0;
	s0 =	simm.s32 @!p1 $0x0  }
0x14: {  	s2 =	sld [smem:$0x3F9B];
	s0 =	simm.s32 @p1 $0x1  }
0x15: {  	[smem:$0x3FB8] =	sst s0;
	s0 =	simm.s32 @!p2 $0x0  }
0x16: {  	s3 =	sld [smem:$0x3FDB];
	s0 =	simm.s32 @p2 $0x1  }
0x17: {  	s4 =	simm.s32 $0x1BF5;
	[smem:$0x3FBA] =	sst s0  }
0x18: {  	s0 =	sld [smem:$0x3F9D];
	_ =	swait.ge [sflag:s4], $0x0  }
0x19: {  	s7 =	sld [smem:$0x3F9E]  }
0x1a: {  	s8 =	sadd.s32 $0xFFFFE003, lr  }
0x1b: {  	s9 =	sadd.s32 $0xFFFFFEF7, lr;
	s5 =	simm.s32 $0xFFFFFFFF;
	p2 =	slt.u32 s8, $0xFFFFF086  }
0x1c: {  	p1 =	slt.u32 s9, $0xF7A;
	s5 =	simm.s32 @!p2 $0x0  }
0x1d: {  	s5 =	simm.s32 @p1 $0x1;
	p0 =	seq.s32 s7, s2  }
0x1e: {  	s7 =	smul.u32 @!p0 $0xF7A, s2;
	p2 =	seq.s32 @!p0 s5, $0x0  }
0x1f: {  	s9 =	smul.u32 $0xF7A, s1;
	s8 =	simm.s32 @!p0 $0x1BF5;
	p2 =	por !p2, p0  }
0x20: {  	[sflag:s8] =	ssyncset.s32 @!p0 $0xFFFFF086;
	s6 =	sadd.s32 @!p0 s3, s7;
	s7 =	simm.s32 @!p0 $0x108  }
0x21: {  	s3 =	sadd.s32 s3, s9;
	s6 =	sadd.s32 @!p0 $0x88, s6;
	s7 =	simm.s32 @p2 $0x1082  }
0x22: {  	[simem:s7], [sflag:s8] =	dma.local @!p0 [hbm:s6], $0xF7A  }
0x23: {  	s9 =	sor.u32 $0xD0000000, s2;
	s6 =	simm.s32 $0x108;
	_ =	swait.ge @!p0 [sflag:s8], $0x0  }
0x24: {  	s3 =	sadd.s32 $0x88, s3;
	s6 =	simm.s32 @!p1 $0x1082;
	[sflag:s4] =	ssyncset.s32 $0xFFFFF086  }
0x25: {  	[simem:s6], [sflag:s4] =	dma.local [hbm:s3], $0xF7A  }
0x26: {  	[smem:$0x3F9E] =	sst s1;
	(tag) =	ssettag s2;
	_ =	strace s9  }
0x27: {  	s1 =	sld [smem:$0x3FAE]  }
0x28: {  	s2 =	sld [smem:$0x3FAF]  }
0x29: {  	s4 =	sld [smem:$0x3FB1]  }
0x2a: {  	p0 =	seq.s32 s5, $0x0;
	s5 =	sld [smem:$0x3FB2]  }
0x2b: {  	s6 =	sld [smem:$0x3FB3]  }
0x2c: {  	s7 =	sld [smem:$0x3FB4]  }
0x2d: {  	s3 =	simm.s32 $0x108;
	s8 =	sld [smem:$0x3FB5]  }
0x2e: {  	s3 =	simm.s32 @!p0 $0x1082;
	s9 =	sld [smem:$0x3FB6]  }
0x2f: {  	lr =	sadd.s32 s0, s3;
	s0 =	sld [smem:$0x3FAD]  }
0x30: {  	s3 =	sld [smem:$0x3FB0]  }
0x31: {  	[smem:$0x3FB9] =	sst s10  }
0x32: {  	s10 =	sld [smem:$0x3FB7];
	_ =	sdelay $0x3  }
0x33: {  	p0 =	seq.s32 s10, $0x1;
	s10 =	sld [smem:$0x3FB9];
	_ =	sdelay $0x3  }
0x34: {  	[smem:$0x3FB9] =	sst s10  }
0x35: {  	s10 =	sld [smem:$0x3FB8];
	_ =	sdelay $0x3  }
0x36: {  	p1 =	seq.s32 s10, $0x1;
	s10 =	sld [smem:$0x3FB9];
	_ =	sdelay $0x3  }
0x37: {  	[smem:$0x3FB9] =	sst s10  }
0x38: {  	s10 =	sld [smem:$0x3FBA]  }
0x39: {  	_ = 	snop;
	(pc) =	sbr.ind lr, $3  }
0x3a: {  	_ = 	snop  }
0x3b: {  	_ = 	snop  }
0x3c: {  	p2 =	seq.s32 s10, $0x1;
	s10 =	sld [smem:$0x3FB9]  }
0x3d: {  	_ =	shalt  }
0x3e: {  	_ =	shalt  }
0x3f: {  	_ =	shalt  }
0x40: {  	_ =	shalt  }
0x41: {  	_ =	shalt  }
0x42: {  	_ =	shalt  }
0x43: {  	_ =	shalt  }
0x44: {  	_ =	shalt  }
0x45: {  	_ =	shalt  }
0x46: {  	_ =	shalt  }
0x47: {  	_ =	shalt  }
0x48: {  	_ =	shalt  }
0x49: {  	_ =	shalt  }
0x4a: {  	_ =	shalt  }
0x4b: {  	_ =	shalt  }
0x4c: {  	_ =	shalt  }
0x4d: {  	_ =	shalt  }
0x4e: {  	_ =	shalt  }
0x4f: {  	_ =	shalt  }
0x50: {  	_ =	shalt  }
0x51: {  	_ =	shalt  }
0x52: {  	_ =	shalt  }
0x53: {  	_ =	shalt  }
0x54: {  	_ =	shalt  }
0x55: {  	_ =	shalt  }
0x56: {  	_ =	shalt  }
0x57: {  	_ =	shalt  }
0x58: {  	_ =	shalt  }
0x59: {  	_ =	shalt  }
0x5a: {  	_ =	shalt  }
0x5b: {  	_ =	shalt  }
0x5c: {  	_ =	shalt  }
0x5d: {  	_ =	shalt  }
0x5e: {  	_ =	shalt  }
0x5f: {  	_ =	shalt  }
0x60: {  	_ =	shalt  }
0x61: {  	_ =	shalt  }
0x62: {  	_ =	shalt  }
0x63: {  	_ =	shalt  }
0x64: {  	_ =	shalt  }
0x65: {  	_ =	shalt  }
0x66: {  	_ =	shalt  }
0x67: {  	_ =	shalt  }
0x68: {  	_ =	shalt  }
0x69: {  	_ =	shalt  }
0x6a: {  	_ =	shalt  }
0x6b: {  	_ =	shalt  }
0x6c: {  	_ =	shalt  }
0x6d: {  	_ =	shalt  }
0x6e: {  	_ =	shalt  }
0x6f: {  	_ =	shalt  }
0x70: {  	_ =	shalt  }
0x71: {  	_ =	shalt  }
0x72: {  	_ =	shalt  }
0x73: {  	_ =	shalt  }
0x74: {  	_ =	shalt  }
0x75: {  	_ =	shalt  }
0x76: {  	_ =	shalt  }
0x77: {  	_ =	shalt  }
0x78: {  	_ =	shalt  }
0x79: {  	_ =	shalt  }
0x7a: {  	_ =	shalt  }
0x7b: {  	_ =	shalt  }
0x7c: {  	_ =	shalt  }
0x7d: {  	_ =	shalt  }
0x7e: {  	_ =	shalt  }
0x7f: {  	_ =	shalt  }
0x80: {  	_ =	shalt  }
0x81: {  	_ =	shalt  }
0x82: {  	_ =	shalt  }
0x83: {  	_ =	shalt  }
0x84: {  	_ =	shalt  }
0x85: {  	_ =	shalt  }
0x86: {  	_ =	shalt  }
0x87: {  	_ =	shalt  }
.Lfunc_end0:
.L_simem_size_0:
called_computation_lowered:
.L_overlay_start_0:
0x88: {  	s2 =	sld [smem:$0x3FD9]  }
0x89: {  	s3 =	sld [smem:$0x3FFE];
	_ =	sdelay $0x1  }
0x8a: {  	s1 =	srdreg.scid  }
0x8b: {  	s0 =	sand.u32 $0x1, s1  }
0x8c: {  	s18 =	sshll.u32 s0, $0xA;
	s2 =	sadd.s32 s3, s2  }
0x8d: {  	s2 =	sadd.s32 s2, s18  }
0x8e: {  	[smem:$0x3FC5] =	sst s2  }
0x8f: {  	_ = 	snop  }
0x90: {  	s2 =	sld [smem:$0x3FC9]  }
0x91: {  	s19 =	sld [smem:$0x3FC8]  }
0x92: {  	s4 =	sld [smem:$0x3FC7]  }
0x93: {  	s5 =	sld [smem:$0x3FD0];
	(tm) =	ssettm $0x1  }
0x94: {  	s6 =	sld [smem:$0x3FFB];
	_ =	sdelay $0x3  }
0x95: {  	_ =	strace s6  }
0x96: {  	s6 =	sld [smem:$0x3FFC];
	_ =	sdelay $0x3  }
0x97: {  	_ =	strace s6  }
0x98: {  	s6 =	sld [smem:$0x3FFD];
	_ =	sdelay $0x3  }
0x99: {  	_ =	strace s6  }
0x9a: {  	_ =	strace $0x8FFFFFFF  }
0x9b: {  	s20 =	sld [smem:$0x3FDB];
	_ =	sdelay $0x1  }
0x9c: {  	s7 =	simm.s32 $_scs_section_size  }
0x9d: {  	s8 =	simm.s32 $_size__tile_overlayer_lowered;
	s9 =	simm.s32 $_tile_overlayer_lowered  }
0x9e: {  	s23 =	simm.s32 $0x1BFF;
	s22 =	sshll.u32 s9, $0x1;
	s6 =	sadd.s32 s7, s20  }
0x9f: {  	s10 =	simm.s32 $0x0;
	s21 =	sshll.u32 s8, $0x1;
	s8 =	sadd.s32 s22, s6  }
0xa0: {  	[timem:s10], [sflag:s23] =	dma.local [hbm:s8], s21  }
0xa1: {  	_ =	swait.ge [sflag:s23], s21  }
0xa2: {  	s7 =	ssub.s32 $0x0, s21;
	[sflag:s23] =	ssyncset.done $0x0  }
0xa3: {  	[sflag:s23] =	ssyncadd.s32 s7;
	_ =	sdelay $0x1  }
0xa4: {  	s24 =	simm.s32 $0x1B8B  }
0xa5: {  	_ =	swait.ge [sflag:s24], $0x1  }
0xa6: {  	[sflag:s24] =	ssyncset.done $0x0  }
0xa7: {  	s25 =	simm.s32 $0x1B8E;
	[sflag:s24] =	ssyncadd.s32 $0xFFFFFFFF  }
0xa8: {  	s26 =	simm.s32 $execute0_lowered;
	[smem:$0x3FD2] =	sst s25  }
0xa9: {  	s7 =	sshll.u32 s26, $0x1;
	_ =	strace $0x80000046;
	[dreg:$0x1] =	wrdreg $0xFFFFFFFF  }
0xaa: {  	s28 =	simm.s32 $_size_execute0_lowered;
	s6 =	sadd.s32 s6, s7;
	[dreg:$0x0] =	wrdreg $0x0  }
0xab: {  	s7 =	sshll.u32 s28, $0x1;
	[dreg:$0x2] =	wrdreg s6  }
0xac: {  	[dreg:$0x3] =	wrdreg s7  }
0xad: {  	[dreg:$0x4] =	wrdreg $0xC0  }
0xae: {  	_ =	task [dreg:s10], $0x5FFFF  }
0xaf: {  	[dreg:$0x1] =	wrdreg $0xFFFFFFFF  }
0xb0: {  	[dreg:$0x0] =	wrdreg $0x60  }
0xb1: {  	[dreg:$0x2] =	wrdreg s2  }
0xb2: {  	[dreg:$0x3] =	wrdreg s19  }
0xb3: {  	[dreg:$0x4] =	wrdreg s4  }
0xb4: {  	[dreg:$0x5] =	wrdreg s5  }
0xb5: {  	[dreg:$0x6] =	wrdreg $0x9  }
0xb6: {  	_ =	task.clear_ibuf [dreg:s10], $0x7FFFF;
	_ =	strace $0x90000046  }
0xb7: {  	s29 =	simm.s32 $0x9;
	_ =	strace $0x80000048  }
0xb8: {  	_ =	swait.ge [sflag:s29], $0x1  }
0xb9: {  	[sflag:s29] =	ssyncadd.s32 $0xFFFFFFFF  }
0xba: {  	_ =	strace $0x90000048  }
0xbb: {  	_ =	sfence  }
0xbc: {  	s30 =	sld [smem:$0x0];
	_ =	sdelay $0x2  }
0xbd: {  	s31 =	sshll.u32 s1, $0xD;
	s1 =	sshrl.u32 s1, $0x2  }
0xbe: {  	s3 =	sand.u32 $0x4000, s31;
	s1 =	sadd.s32 s1, s30  }
0xbf: {  	s0 =	sor.u32 s3, s0;
	s1 =	sshll.u32 s1, $0x11  }
0xc0: {  	s0 =	sor.u32 s1, s0  }
0xc1: {  	s0 =	sadd.s32 $0x8F2B, s0  }
0xc2: {  	[sflag:s0] =	ssyncadd.remote.s32 $0x1  }
0xc3: {  	_ =	sfence.sel $0xFFFF  }
0xc4: {  	[dreg:$0x0] =	wrdreg $0xFFFFFFFF;
	(pc) =	sbr.abs _section_cstart, $3  }
0xc5: {  	[dreg:$0x1] =	wrdreg $0xFFFFFFFF  }
0xc6: {  	_ =	task.clear_ibuf [dreg:s10], $0x2FFFF;
	_ =	strace $0x9FFFFFFF  }
0xc7: {  	(tm) =	ssettm $0x7FFFFFFF  }
tec
execute0_lowered:
.L_overlay_start_1:
0x0: {  	(tag) =	ssettag $0x1  }
0x1: {  	s0 =	rddreg [dreg:$0x0]  }
0x2: {  	s1 =	rddreg [dreg:$0x1]  }
0x3: {  	s2 =	rddreg [dreg:$0x3];
	s4 =	srdreg.scid;
	s3 =	simm.s32 $0x0  }
0x4: {  	s9 =	stileid.u32;
	s16 =	simm.s32 $0x5000;
	s17 =	simm.s32 $0x3  }
0x5: {  	s18 =	simm.s32 $0x1;
	s19 =	simm.s32 $0x2;
	s20 =	simm.s32 $0x4  }
0x6: {  	s21 =	simm.s32 $0x0;
	s4 =	sand.u32 $0x1, s4;
	[smem:$0x7FF] =	sst s3  }
0x7: {  	s24 =	sshll.u32 s9, $0x1;
	s7 =	sshrl.u32 s9, $0x3;
	s25 =	sand.u32 $0x7, s9  }
0x8: {  	s10 =	sand.u32 $0x8, s9;
	s5 =	ssub.s32 $0x2, s4;
	_ =	strace $0x80000047  }
0x9: {  	s8 =	sand.u32 $0xE, s24;
	s26 =	smul.u32 $0x5000, s25;
	s6 =	sshrl.u32 s5, $0x1  }
0xa: {  	s8 =	sor.u32 s4, s8;
	s4 =	smul.u32 $0x2800, s4;
	s6 =	ssub.s32 s5, s6  }
0xb: {  	s5 =	smul.u32 $0x27400, s7;
	p0 =	seq.s32 s8, $0xF;
	s7 =	simm.s32 $0x7  }
0xc: {  	s8 =	smul.u32 $0xA, s8;
	s7 =	simm.s32 @!p0 $0xA;
	s6 =	smax.u32 s6, $0x1  }
0xd: {  	s11 =	sadd.s32 s26, s5;
	s9 =	sand.u32 $0xE, s7;
	s28 =	sshll.u32 s7, $0xA  }
0xe: {  	[dreg:$0x5] =	wrdreg s6;
	s4 =	sadd.s32 s4, s11;
	s29 =	sand.u32 $0x3800, s28  }
0xf: {  	p0 =	sne.s32 s9, s7;
	s4 =	sshrl.u32 s4, $0x3;
	s30 =	sor.u32 $0x40, s29  }
0x10: {  	s31 =	sadd.s32 $0x2840, s29;
	s15 =	sadd.s32 $0x5840, s29;
	[dreg:$0x6] =	wrdreg s30  }
0x11: {  	v0 =	vimm.s32 $0x0;
	s11 =	sadd.s32 s4, s1;
	s12 =	sadd.s32 s4, s0;
	[dreg:$0x7] =	wrdreg s31  }
.LBB2_1:
0x12: {  	s0 =	rddreg [dreg:$0x2];
	p1 =	sne.s32 s7, $0x1  }
0x13: {  	[tilespmem:s16], [sflag:$0x3] =	stream.linear.gather [hbm4b:s0+s3], $0x800, $0x38;
	[tilespmem:$0x8000] =	vst v63  }
.Ltmp0:
0x14: {  	_ = 	snop;
	(pc) =	sbr.rel @!p1 .LBB2_3-.Ltmp0, $4  }
0x15: {  	s1 =	sadd.s32 $0xFFFFFFFF, s7;
	s4 =	sadd.s32 $0x80, s12  }
0x16: {  	[tilespmem:s3], [sflag:$0x1] =	stream.linear.gather [hbm4b:s12+s3], $0x400, $0x38;
	[tilespmem:$0x8000] =	vst v63  }
0x17: {  	s6 =	simm.s32 $0x400;
	s13 =	smov.u32 s11;
	s0 =	simm.s32 $0x2800  }
0x18: {  	[tilespmem:s0], [sflag:$0x2] =	stream.linear.gather [hbm4b:s11+s3], $0x400, $0x38;
	[tilespmem:$0x8000] =	vst v63  }
.LBB2_2:
0x19: {  	[tilespmem:s6], [sflag:$0x1] =	stream.linear.gather [hbm4b:s4+s3], $0x400, $0x38;
	[tilespmem:$0x8000] =	vst v63  }
0x1a: {  	p1 =	sne.s32 s1, $0x1  }
.Ltmp1:
0x1b: {  	s1 =	sadd.s32 $0xFFFFFFFF, s1;
	(pc) =	sbr.rel @p1 .LBB2_2-.Ltmp1, $4  }
0x1c: {  	s13 =	sadd.s32 $0x80, s13;
	s0 =	sadd.s32 $0x400, s0  }
0x1d: {  	[tilespmem:s0], [sflag:$0x2] =	stream.linear.gather [hbm4b:s13+s3], $0x400, $0x38;
	[tilespmem:$0x8000] =	vst v63  }
0x1e: {  	_ = 	snop  }
0x1f: {  	s4 =	sadd.s32 $0x80, s4;
	s6 =	sadd.s32 $0x400, s6  }
.LBB2_3:
0x20: {  	_ =	swait.ge [sflag:s17], $0x800  }
0x21: {  	s23 =	simm.s32 $0x0;
	s24 =	simm.s32 $0x2840;
	s25 =	simm.s32 $0x40  }
0x22: {  	s26 =	simm.s32 $0x5840;
	s28 =	simm.s32 $0x2C70;
	[sflag:s17] =	ssyncset.done $0x0  }
0x23: {  	s13 =	simm.s32 $0x470;
	s0 =	simm.s32 $0x5C70;
	[sflag:s17] =	ssyncadd.s32 $0xFFFFF800  }
.LBB2_4:
0x24: {  	_ =	swait.ge [sflag:s18], $0x400  }
0x25: {  	[sflag:s18] =	ssyncset.done $0x0  }
0x26: {  	[sflag:s18] =	ssyncadd.s32 $0xFFFFFC00  }
0x27: {  	_ =	swait.ge [sflag:s19], $0x400  }
0x28: {  	[sflag:s19] =	ssyncset.done $0x0  }
0x29: {  	[sflag:s19] =	ssyncadd.s32 $0xFFFFFC00  }
0x2a: {  	v1 =	vld [tilespmem:s24+$0x30]  }
0x2b: {  	v2 =	vld [tilespmem:s24+$0xFFFFFFD0]  }
0x2c: {  	v3 =	vld [tilespmem:s24+$0xFFFFFFE0]  }
0x2d: {  	v4 =	vld [tilespmem:s24+$0xFFFFFFF0]  }
0x2e: {  	v8 =	vld [tilespmem:s24+$0xFFFFFFC0]  }
0x2f: {  	v5 =	vld [tilespmem:s24+$0x0];
	vm0 =	vgt.s32 v1, $0x0  }
0x30: {  	v6 =	vld [tilespmem:s24+$0x10];
	v1 =	vnsel vm0, $0x0, v1  }
0x31: {  	s22 =	sshll.u32 s10, $0x7;
	v7 =	vld [tilespmem:s24+$0x20];
	vm0 =	vgt.s32 v2, $0x0;
	v1 =	vmin.u32 v1, $0x63  }
0x32: {  	v2 =	vnsel vm0, $0x0, v2;
	vm0 =	vgt.s32 v3, $0x0;
	v1 =	vor.u32 s22, v1  }
0x33: {  	vm1 =	vgt.s32 v8, $0x0;
	v3 =	vnsel vm0, $0x0, v3;
	vm0 =	vgt.s32 v4, $0x0  }
0x34: {  	v2 =	vmin.u32 v2, $0x63;
	v4 =	vnsel vm0, $0x0, v4;
	vm0 =	vgt.s32 v5, $0x0  }
0x35: {  	v10 =	vld [tilespmem:s25+$0x30];
	v3 =	vmin.u32 v3, $0x63;
	v5 =	vnsel vm0, $0x0, v5;
	vm0 =	vgt.s32 v6, $0x0  }
0x36: {  	v9 =	vmin.u32 v4, $0x63;
	v4 =	vld [tilespmem:s25+$0xFFFFFFC0];
	v6 =	vnsel vm0, $0x0, v6;
	vm0 =	vgt.s32 v7, $0x0  }
0x37: {  	v11 =	vld.idx.msk [tilespmem:v1+s16+$0x0], $0xffff;
	v1 =	vmin.u32 v5, $0x63;
	v5 =	vnsel vm0, $0x0, v7;
	v7 =	vnsel vm1, $0x0, v8  }
0x38: {  	v8 =	vmin.u32 v6, $0x63;
	v12 =	vmin.u32 v5, $0x63;
	v6 =	vmin.u32 v7, $0x63;
	v5 =	vld [tilespmem:s25+$0xFFFFFFD0]  }
0x39: {  	v2 =	vor.u32 s22, v2;
	v3 =	vor.u32 s22, v3;
	v13 =	vor.u32 s22, v6;
	v6 =	vld [tilespmem:s25+$0xFFFFFFE0]  }
0x3a: {  	v16 =	vor.u32 s22, v9;
	vm0 =	vlt.f32 v10, $-5.000000000e-01;
	vm1 =	vgt.f32 v10, $5.000000000e-01;
	v7 =	vld [tilespmem:s25+$0xFFFFFFF0]  }
0x3b: {  	v9 =	vld [tilespmem:s25+$0x0];
	v17 =	vor.u32 s22, v1;
	v21 =	vor.u32 s22, v8;
	vm0 =	vmneg vm0  }
0x3c: {  	v8 =	vld [tilespmem:s25+$0x10];
	v1 =	vor.u32 s22, v12;
	v12 =	vsel vm0, $0xFFFFFFFF, v0;
	vm0 =	vlt.f32 v4, $-5.000000000e-01  }
0x3d: {  	v10 =	vld [tilespmem:s25+$0x20];
	vm0 =	vmneg vm0;
	v11 =	vadd.s32 $0x1, v11;
	vm2 =	vlt.f32 v5, $-5.000000000e-01  }
0x3e: {  	v20 =	vld.idx.msk [tilespmem:v2+s16+$0x0], $0xffff;
	v22 =	vsel vm1, v11, v12;
	vm1 =	vmneg vm2;
	vm2 =	vlt.f32 v6, $-5.000000000e-01  }
0x3f: {  	v11 =	vsel vm0, $0xFFFFFFFF, v0;
	v15 =	vld.idx.msk [tilespmem:v13+s16+$0x0], $0xffff;
	vm0 =	vmneg vm2;
	vm2 =	vlt.f32 v7, $-5.000000000e-01  }
0x40: {  	v18 =	vld.idx.msk [tilespmem:v3+s16+$0x0], $0xffff;
	v14 =	vsel vm1, $0xFFFFFFFF, v0;
	vm1 =	vmneg vm2;
	vm2 =	vlt.f32 v9, $-5.000000000e-01  }
0x41: {  	v19 =	vld.idx.msk [tilespmem:v16+s16+$0x0], $0xffff;
	v13 =	vsel vm0, $0xFFFFFFFF, v0;
	vm0 =	vmneg vm2;
	vm2 =	vlt.f32 v8, $-5.000000000e-01  }
0x42: {  	s30 =	simm.s32 $0x0;
	s4 =	sadd.s32 $0x80, s24;
	v16 =	vld.idx.msk [tilespmem:v17+s16+$0x0], $0xffff;
	v12 =	vsel vm1, $0xFFFFFFFF, v0;
	vm1 =	vmneg vm2;
	vm2 =	vlt.f32 v10, $-5.000000000e-01  }
0x43: {  	s31 =	smov.u32 s26;
	s1 =	smov.u32 s10;
	s6 =	smov.u32 s25;
	v17 =	vld.idx.msk [tilespmem:v21+s16+$0x0], $0xffff;
	[tilespmem:s26+$0x30] =	vst v22;
	v3 =	vsel vm0, $0xFFFFFFFF, v0;
	v2 =	vsel vm1, $0xFFFFFFFF, v0;
	vm0 =	vmneg vm2  }
.LBB2_5:
0x44: {  	v21 =	vld [tilespmem:s4+$0x30];
	s30 =	sadd.s32 $0x80, s30;
	v15 =	vadd.s32 $0x1, v15;
	vm3 =	vgt.f32 v4, $5.000000000e-01;
	v22 =	vsel vm0, $0xFFFFFFFF, v0  }
0x45: {  	v20 =	vadd.s32 $0x1, v20;
	vm4 =	vgt.f32 v5, $5.000000000e-01;
	vm5 =	vgt.f32 v6, $5.000000000e-01;
	v4 =	vld [tilespmem:s4+$0xFFFFFFD0];
	p1 =	slt.u32 s30, $0x380  }
0x46: {  	vm6 =	vgt.f32 v7, $5.000000000e-01;
	vm1 =	vgt.f32 v9, $5.000000000e-01;
	v6 =	vadd.s32 $0x1, v18;
	v5 =	vld [tilespmem:s4+$0xFFFFFFE0]  }
0x47: {  	vm2 =	vgt.f32 v8, $5.000000000e-01;
	vm0 =	vgt.f32 v10, $5.000000000e-01;
	v9 =	vadd.s32 $0x1, v19;
	v7 =	vld [tilespmem:s4+$0xFFFFFFF0]  }
0x48: {  	v10 =	vsel vm3, v15, v11;
	v11 =	vsel vm4, v20, v14;
	v14 =	vadd.s32 $0x1, v16;
	v8 =	vld [tilespmem:s4+$0x0]  }
0x49: {  	v6 =	vsel vm5, v6, v13;
	v15 =	vld [tilespmem:s4+$0x10];
	vm3 =	vgt.s32 v21, $0x0;
	[tilespmem:s31+$0xFFFFFFC0] =	vst v10;
	v10 =	vadd.s32 $0x1, v17  }
0x4a: {  	s1 =	sadd.s32 $0x1, s1;
	v9 =	vsel vm6, v9, v12;
	vm4 =	vgt.s32 v4, $0x0;
	v13 =	vld [tilespmem:s4+$0x20];
	v16 =	vnsel vm3, $0x0, v21;
	[tilespmem:s31+$0xFFFFFFD0] =	vst v11  }
0x4b: {  	s29 =	sshll.u32 s1, $0x7;
	v11 =	vld [tilespmem:s4+$0xFFFFFFC0];
	v4 =	vnsel vm4, $0x0, v4;
	vm3 =	vgt.s32 v5, $0x0;
	v12 =	vmin.u32 v16, $0x63;
	[tilespmem:s31+$0xFFFFFFE0] =	vst v6  }
0x4c: {  	v5 =	vnsel vm3, $0x0, v5;
	vm3 =	vgt.s32 v7, $0x0;
	v6 =	vor.u32 s29, v12;
	[tilespmem:s31+$0xFFFFFFF0] =	vst v9;
	v9 =	vld.idx.msk [tilespmem:v1+s16+$0x0], $0xffff  }
0x4d: {  	v1 =	vmin.u32 v4, $0x63;
	v4 =	vnsel vm3, $0x0, v7;
	vm3 =	vgt.s32 v8, $0x0  }
0x4e: {  	v5 =	vmin.u32 v5, $0x63;
	v7 =	vnsel vm3, $0x0, v8;
	vm3 =	vgt.s32 v15, $0x0  }
0x4f: {  	s6 =	sadd.s32 $0x80, s6;
	v8 =	vmin.u32 v4, $0x63;
	v4 =	vnsel vm3, $0x0, v15;
	vm3 =	vgt.s32 v13, $0x0  }
0x50: {  	v7 =	vmin.u32 v7, $0x63;
	vm4 =	vgt.s32 v11, $0x0;
	v12 =	vnsel vm3, $0x0, v13;
	v13 =	vld [tilespmem:s6+$0x30]  }
0x51: {  	v15 =	vmin.u32 v4, $0x63;
	v11 =	vnsel vm4, $0x0, v11;
	v12 =	vmin.u32 v12, $0x63;
	v16 =	vld.idx.msk [tilespmem:v6+s16+$0x0], $0xffff  }
0x52: {  	v17 =	vor.u32 s29, v1;
	v18 =	vor.u32 s29, v5;
	v6 =	vmin.u32 v11, $0x63;
	v4 =	vld [tilespmem:s6+$0xFFFFFFC0]  }
0x53: {  	v19 =	vor.u32 s29, v8;
	v21 =	vor.u32 s29, v7;
	v11 =	vor.u32 s29, v6;
	v5 =	vld [tilespmem:s6+$0xFFFFFFD0]  }
0x54: {  	v23 =	vor.u32 s29, v15;
	v8 =	vadd.s32 $0x1, v9;
	v1 =	vor.u32 s29, v12;
	v6 =	vld [tilespmem:s6+$0xFFFFFFE0]  }
0x55: {  	v3 =	vsel vm1, v14, v3;
	v2 =	vsel vm2, v10, v2;
	v7 =	vld [tilespmem:s6+$0xFFFFFFF0];
	vm3 =	vlt.f32 v13, $-5.000000000e-01  }
0x56: {  	v9 =	vld [tilespmem:s6+$0x0];
	vm1 =	vmneg vm3;
	[tilespmem:s31+$0x0] =	vst v3;
	v3 =	vsel vm0, v8, v22  }
0x57: {  	v12 =	vadd.s32 $0x1, v16;
	vm0 =	vgt.f32 v13, $5.000000000e-01;
	v8 =	vld [tilespmem:s6+$0x10];
	v13 =	vsel vm1, $0xFFFFFFFF, v0;
	[tilespmem:s31+$0x10] =	vst v2  }
0x58: {  	vm1 =	vlt.f32 v4, $-5.000000000e-01;
	vm2 =	vlt.f32 v5, $-5.000000000e-01;
	v10 =	vld [tilespmem:s6+$0x20];
	v2 =	vsel vm0, v12, v13;
	[tilespmem:s31+$0x20] =	vst v3;
	s31 =	sadd.s32 $0x80, s31  }
0x59: {  	vm0 =	vmneg vm1;
	v15 =	vld.idx.msk [tilespmem:v11+s16+$0x0], $0xffff;
	vm1 =	vmneg vm2;
	vm2 =	vlt.f32 v6, $-5.000000000e-01;
	[tilespmem:s31+$0x30] =	vst v2  }
.Ltmp2:
0x5a: {  	v11 =	vsel vm0, $0xFFFFFFFF, v0;
	v20 =	vld.idx.msk [tilespmem:v17+s16+$0x0], $0xffff;
	vm0 =	vmneg vm2;
	vm2 =	vlt.f32 v7, $-5.000000000e-01;
	(pc) =	sbr.rel @p1 .LBB2_5-.Ltmp2, $4  }
0x5b: {  	v14 =	vsel vm1, $0xFFFFFFFF, v0;
	v18 =	vld.idx.msk [tilespmem:v18+s16+$0x0], $0xffff;
	vm1 =	vmneg vm2;
	vm2 =	vlt.f32 v9, $-5.000000000e-01  }
0x5c: {  	v13 =	vsel vm0, $0xFFFFFFFF, v0;
	v19 =	vld.idx.msk [tilespmem:v19+s16+$0x0], $0xffff;
	vm0 =	vmneg vm2;
	vm2 =	vlt.f32 v8, $-5.000000000e-01  }
0x5d: {  	v12 =	vsel vm1, $0xFFFFFFFF, v0;
	v16 =	vld.idx.msk [tilespmem:v21+s16+$0x0], $0xffff;
	vm1 =	vmneg vm2;
	vm2 =	vlt.f32 v10, $-5.000000000e-01  }
0x5e: {  	s4 =	sadd.s32 $0x80, s4;
	v3 =	vsel vm0, $0xFFFFFFFF, v0;
	v17 =	vld.idx.msk [tilespmem:v23+s16+$0x0], $0xffff;
	v2 =	vsel vm1, $0xFFFFFFFF, v0;
	vm0 =	vmneg vm2  }
0x5f: {  	_ =	sdelay $0x2  }
0x60: {  	v15 =	vadd.s32 $0x1, v15;
	vm1 =	vgt.f32 v4, $5.000000000e-01;
	v4 =	vsel vm0, $0xFFFFFFFF, v0  }
0x61: {  	v20 =	vadd.s32 $0x1, v20;
	vm0 =	vgt.f32 v5, $5.000000000e-01;
	v1 =	vld.idx.msk [tilespmem:v1+s16+$0x0], $0xffff;
	v5 =	vsel vm1, v15, v11  }
0x62: {  	vm1 =	vgt.f32 v6, $5.000000000e-01;
	v6 =	vadd.s32 $0x1, v18;
	v11 =	vsel vm0, v20, v14;
	[tilespmem:s31+$0xFFFFFFC0] =	vst v5  }
0x63: {  	vm0 =	vgt.f32 v7, $5.000000000e-01;
	v5 =	vadd.s32 $0x1, v19;
	v6 =	vsel vm1, v6, v13;
	[tilespmem:s31+$0xFFFFFFD0] =	vst v11  }
0x64: {  	s1 =	sadd.s32 s8, s23;
	vm1 =	vgt.f32 v9, $5.000000000e-01;
	v7 =	vadd.s32 $0x1, v16;
	v5 =	vsel vm0, v5, v12;
	[tilespmem:s31+$0xFFFFFFE0] =	vst v6  }
0x65: {  	s1 =	sshll.u32 s1, $0xA;
	vm0 =	vgt.f32 v8, $5.000000000e-01;
	v6 =	vadd.s32 $0x1, v17;
	[tilespmem:s31+$0xFFFFFFF0] =	vst v5;
	v3 =	vsel vm1, v7, v3  }
0x66: {  	s4 =	sshll.u32 s23, $0xC;
	s1 =	sadd.s32 s5, s1;
	vm1 =	vgt.f32 v10, $5.000000000e-01;
	v1 =	vadd.s32 $0x1, v1;
	v2 =	vsel vm0, v6, v2;
	[tilespmem:s31+$0x0] =	vst v3  }
0x67: {  	s4 =	sshra.s32 s4, $0x2;
	s1 =	sshrl.u32 s1, $0x3;
	v1 =	vsel vm1, v1, v4;
	[tilespmem:s31+$0x10] =	vst v2  }
0x68: {  	s4 =	sadd.s32 $0x5800, s4;
	s1 =	sadd.s32 s2, s1;
	[tilespmem:s31+$0x20] =	vst v1  }
0x69: {  	[hbm4b:s1+s3] =	stream.linear.scatter [tilespmem:s4], [sflag:$0x4], $0x400, $0x38;
	[tilespmem:$0x8000] =	vst v63  }
0x6a: {  	_ =	swait.ge [sflag:s18], $0x400  }
0x6b: {  	[sflag:s18] =	ssyncset.done $0x0  }
0x6c: {  	[sflag:s18] =	ssyncadd.s32 $0xFFFFFC00  }
0x6d: {  	_ =	swait.ge [sflag:s19], $0x400  }
0x6e: {  	[sflag:s19] =	ssyncset.done $0x0  }
0x6f: {  	[sflag:s19] =	ssyncadd.s32 $0xFFFFFC00  }
0x70: {  	v1 =	vld [tilespmem:s28+$0x0]  }
0x71: {  	v2 =	vld [tilespmem:s28+$0xFFFFFFA0]  }
0x72: {  	v3 =	vld [tilespmem:s28+$0xFFFFFFB0]  }
0x73: {  	v4 =	vld [tilespmem:s28+$0xFFFFFFC0]  }
0x74: {  	v8 =	vld [tilespmem:s28+$0xFFFFFF90]  }
0x75: {  	v5 =	vld [tilespmem:s28+$0xFFFFFFD0];
	vm0 =	vgt.s32 v1, $0x0  }
0x76: {  	v6 =	vld [tilespmem:s28+$0xFFFFFFE0];
	v1 =	vnsel vm0, $0x0, v1  }
0x77: {  	v7 =	vld [tilespmem:s28+$0xFFFFFFF0];
	vm0 =	vgt.s32 v2, $0x0;
	v1 =	vmin.u32 v1, $0x63  }
0x78: {  	v2 =	vnsel vm0, $0x0, v2;
	vm0 =	vgt.s32 v3, $0x0;
	v1 =	vor.u32 s22, v1  }
0x79: {  	vm1 =	vgt.s32 v8, $0x0;
	v3 =	vnsel vm0, $0x0, v3;
	vm0 =	vgt.s32 v4, $0x0  }
0x7a: {  	v2 =	vmin.u32 v2, $0x63;
	v4 =	vnsel vm0, $0x0, v4;
	vm0 =	vgt.s32 v5, $0x0  }
0x7b: {  	v10 =	vld [tilespmem:s13+$0x0];
	v3 =	vmin.u32 v3, $0x63;
	v5 =	vnsel vm0, $0x0, v5;
	vm0 =	vgt.s32 v6, $0x0  }
0x7c: {  	v9 =	vmin.u32 v4, $0x63;
	v4 =	vld [tilespmem:s13+$0xFFFFFF90];
	v6 =	vnsel vm0, $0x0, v6;
	vm0 =	vgt.s32 v7, $0x0  }
0x7d: {  	v11 =	vld.idx.msk [tilespmem:v1+s16+$0x0], $0xffff;
	v1 =	vmin.u32 v5, $0x63;
	v5 =	vnsel vm0, $0x0, v7;
	v7 =	vnsel vm1, $0x0, v8  }
0x7e: {  	v8 =	vmin.u32 v6, $0x63;
	v12 =	vmin.u32 v5, $0x63;
	v6 =	vmin.u32 v7, $0x63;
	v5 =	vld [tilespmem:s13+$0xFFFFFFA0]  }
0x7f: {  	v2 =	vor.u32 s22, v2;
	v3 =	vor.u32 s22, v3;
	v13 =	vor.u32 s22, v6;
	v6 =	vld [tilespmem:s13+$0xFFFFFFB0]  }
0x80: {  	v16 =	vor.u32 s22, v9;
	vm0 =	vlt.f32 v10, $-5.000000000e-01;
	vm1 =	vgt.f32 v10, $5.000000000e-01;
	v7 =	vld [tilespmem:s13+$0xFFFFFFC0]  }
0x81: {  	v9 =	vld [tilespmem:s13+$0xFFFFFFD0];
	v17 =	vor.u32 s22, v1;
	v21 =	vor.u32 s22, v8;
	vm0 =	vmneg vm0  }
0x82: {  	v8 =	vld [tilespmem:s13+$0xFFFFFFE0];
	v1 =	vor.u32 s22, v12;
	v12 =	vsel vm0, $0xFFFFFFFF, v0;
	vm0 =	vlt.f32 v4, $-5.000000000e-01  }
0x83: {  	v10 =	vld [tilespmem:s13+$0xFFFFFFF0];
	vm0 =	vmneg vm0;
	v11 =	vadd.s32 $0x1, v11;
	vm2 =	vlt.f32 v5, $-5.000000000e-01  }
0x84: {  	v20 =	vld.idx.msk [tilespmem:v2+s16+$0x0], $0xffff;
	v22 =	vsel vm1, v11, v12;
	vm1 =	vmneg vm2;
	vm2 =	vlt.f32 v6, $-5.000000000e-01  }
0x85: {  	v11 =	vsel vm0, $0xFFFFFFFF, v0;
	v15 =	vld.idx.msk [tilespmem:v13+s16+$0x0], $0xffff;
	vm0 =	vmneg vm2;
	vm2 =	vlt.f32 v7, $-5.000000000e-01  }
0x86: {  	v18 =	vld.idx.msk [tilespmem:v3+s16+$0x0], $0xffff;
	v14 =	vsel vm1, $0xFFFFFFFF, v0;
	vm1 =	vmneg vm2;
	vm2 =	vlt.f32 v9, $-5.000000000e-01  }
0x87: {  	v19 =	vld.idx.msk [tilespmem:v16+s16+$0x0], $0xffff;
	v13 =	vsel vm0, $0xFFFFFFFF, v0;
	vm0 =	vmneg vm2;
	vm2 =	vlt.f32 v8, $-5.000000000e-01  }
0x88: {  	s30 =	smov.u32 s0;
	s6 =	smov.u32 s10;
	s29 =	smov.u32 s13;
	v16 =	vld.idx.msk [tilespmem:v17+s16+$0x0], $0xffff;
	v12 =	vsel vm1, $0xFFFFFFFF, v0;
	vm1 =	vmneg vm2;
	vm2 =	vlt.f32 v10, $-5.000000000e-01  }
0x89: {  	s31 =	sor.u32 $0x1, s23;
	s4 =	simm.s32 $0x0;
	s1 =	sadd.s32 $0x80, s28;
	v17 =	vld.idx.msk [tilespmem:v21+s16+$0x0], $0xffff;
	[tilespmem:s0+$0x0] =	vst v22;
	v3 =	vsel vm0, $0xFFFFFFFF, v0;
	v2 =	vsel vm1, $0xFFFFFFFF, v0;
	vm0 =	vmneg vm2  }
.LBB2_7:
0x8a: {  	v21 =	vld [tilespmem:s1+$0x0];
	s4 =	sadd.s32 $0x80, s4;
	v15 =	vadd.s32 $0x1, v15;
	vm3 =	vgt.f32 v4, $5.000000000e-01;
	v22 =	vsel vm0, $0xFFFFFFFF, v0  }
0x8b: {  	v20 =	vadd.s32 $0x1, v20;
	vm4 =	vgt.f32 v5, $5.000000000e-01;
	vm5 =	vgt.f32 v6, $5.000000000e-01;
	v4 =	vld [tilespmem:s1+$0xFFFFFFA0];
	p1 =	slt.u32 s4, $0x380  }
0x8c: {  	vm6 =	vgt.f32 v7, $5.000000000e-01;
	vm1 =	vgt.f32 v9, $5.000000000e-01;
	v6 =	vadd.s32 $0x1, v18;
	v5 =	vld [tilespmem:s1+$0xFFFFFFB0]  }
0x8d: {  	vm2 =	vgt.f32 v8, $5.000000000e-01;
	vm0 =	vgt.f32 v10, $5.000000000e-01;
	v9 =	vadd.s32 $0x1, v19;
	v7 =	vld [tilespmem:s1+$0xFFFFFFC0]  }
0x8e: {  	v10 =	vsel vm3, v15, v11;
	v11 =	vsel vm4, v20, v14;
	v14 =	vadd.s32 $0x1, v16;
	v8 =	vld [tilespmem:s1+$0xFFFFFFD0]  }
0x8f: {  	v6 =	vsel vm5, v6, v13;
	v15 =	vld [tilespmem:s1+$0xFFFFFFE0];
	vm3 =	vgt.s32 v21, $0x0;
	[tilespmem:s30+$0xFFFFFF90] =	vst v10;
	v10 =	vadd.s32 $0x1, v17  }
0x90: {  	s6 =	sadd.s32 $0x1, s6;
	v9 =	vsel vm6, v9, v12;
	vm4 =	vgt.s32 v4, $0x0;
	v13 =	vld [tilespmem:s1+$0xFFFFFFF0];
	v16 =	vnsel vm3, $0x0, v21;
	[tilespmem:s30+$0xFFFFFFA0] =	vst v11  }
0x91: {  	s14 =	sshll.u32 s6, $0x7;
	v11 =	vld [tilespmem:s1+$0xFFFFFF90];
	v4 =	vnsel vm4, $0x0, v4;
	vm3 =	vgt.s32 v5, $0x0;
	v12 =	vmin.u32 v16, $0x63;
	[tilespmem:s30+$0xFFFFFFB0] =	vst v6  }
0x92: {  	v5 =	vnsel vm3, $0x0, v5;
	vm3 =	vgt.s32 v7, $0x0;
	v6 =	vor.u32 s14, v12;
	[tilespmem:s30+$0xFFFFFFC0] =	vst v9;
	v9 =	vld.idx.msk [tilespmem:v1+s16+$0x0], $0xffff  }
0x93: {  	v1 =	vmin.u32 v4, $0x63;
	v4 =	vnsel vm3, $0x0, v7;
	vm3 =	vgt.s32 v8, $0x0  }
0x94: {  	v5 =	vmin.u32 v5, $0x63;
	v7 =	vnsel vm3, $0x0, v8;
	vm3 =	vgt.s32 v15, $0x0  }
0x95: {  	s29 =	sadd.s32 $0x80, s29;
	v8 =	vmin.u32 v4, $0x63;
	v4 =	vnsel vm3, $0x0, v15;
	vm3 =	vgt.s32 v13, $0x0  }
0x96: {  	v7 =	vmin.u32 v7, $0x63;
	vm4 =	vgt.s32 v11, $0x0;
	v12 =	vnsel vm3, $0x0, v13;
	v13 =	vld [tilespmem:s29+$0x0]  }
0x97: {  	v15 =	vmin.u32 v4, $0x63;
	v11 =	vnsel vm4, $0x0, v11;
	v12 =	vmin.u32 v12, $0x63;
	v16 =	vld.idx.msk [tilespmem:v6+s16+$0x0], $0xffff  }
0x98: {  	v17 =	vor.u32 s14, v1;
	v18 =	vor.u32 s14, v5;
	v6 =	vmin.u32 v11, $0x63;
	v4 =	vld [tilespmem:s29+$0xFFFFFF90]  }
0x99: {  	v19 =	vor.u32 s14, v8;
	v21 =	vor.u32 s14, v7;
	v11 =	vor.u32 s14, v6;
	v5 =	vld [tilespmem:s29+$0xFFFFFFA0]  }
0x9a: {  	v23 =	vor.u32 s14, v15;
	v8 =	vadd.s32 $0x1, v9;
	v1 =	vor.u32 s14, v12;
	v6 =	vld [tilespmem:s29+$0xFFFFFFB0]  }
0x9b: {  	v3 =	vsel vm1, v14, v3;
	v2 =	vsel vm2, v10, v2;
	v7 =	vld [tilespmem:s29+$0xFFFFFFC0];
	vm3 =	vlt.f32 v13, $-5.000000000e-01  }
0x9c: {  	v9 =	vld [tilespmem:s29+$0xFFFFFFD0];
	vm1 =	vmneg vm3;
	[tilespmem:s30+$0xFFFFFFD0] =	vst v3;
	v3 =	vsel vm0, v8, v22  }
0x9d: {  	v12 =	vadd.s32 $0x1, v16;
	vm0 =	vgt.f32 v13, $5.000000000e-01;
	v8 =	vld [tilespmem:s29+$0xFFFFFFE0];
	v13 =	vsel vm1, $0xFFFFFFFF, v0;
	[tilespmem:s30+$0xFFFFFFE0] =	vst v2  }
0x9e: {  	vm1 =	vlt.f32 v4, $-5.000000000e-01;
	vm2 =	vlt.f32 v5, $-5.000000000e-01;
	v10 =	vld [tilespmem:s29+$0xFFFFFFF0];
	v2 =	vsel vm0, v12, v13;
	[tilespmem:s30+$0xFFFFFFF0] =	vst v3;
	s30 =	sadd.s32 $0x80, s30  }
0x9f: {  	vm0 =	vmneg vm1;
	v15 =	vld.idx.msk [tilespmem:v11+s16+$0x0], $0xffff;
	vm1 =	vmneg vm2;
	vm2 =	vlt.f32 v6, $-5.000000000e-01;
	[tilespmem:s30+$0x0] =	vst v2  }
.Ltmp3:
0xa0: {  	v11 =	vsel vm0, $0xFFFFFFFF, v0;
	v20 =	vld.idx.msk [tilespmem:v17+s16+$0x0], $0xffff;
	vm0 =	vmneg vm2;
	vm2 =	vlt.f32 v7, $-5.000000000e-01;
	(pc) =	sbr.rel @p1 .LBB2_7-.Ltmp3, $4  }
0xa1: {  	v14 =	vsel vm1, $0xFFFFFFFF, v0;
	v18 =	vld.idx.msk [tilespmem:v18+s16+$0x0], $0xffff;
	vm1 =	vmneg vm2;
	vm2 =	vlt.f32 v9, $-5.000000000e-01  }
0xa2: {  	v13 =	vsel vm0, $0xFFFFFFFF, v0;
	v19 =	vld.idx.msk [tilespmem:v19+s16+$0x0], $0xffff;
	vm0 =	vmneg vm2;
	vm2 =	vlt.f32 v8, $-5.000000000e-01  }
0xa3: {  	v12 =	vsel vm1, $0xFFFFFFFF, v0;
	v16 =	vld.idx.msk [tilespmem:v21+s16+$0x0], $0xffff;
	vm1 =	vmneg vm2;
	vm2 =	vlt.f32 v10, $-5.000000000e-01  }
0xa4: {  	s1 =	sadd.s32 $0x80, s1;
	v3 =	vsel vm0, $0xFFFFFFFF, v0;
	v17 =	vld.idx.msk [tilespmem:v23+s16+$0x0], $0xffff;
	v2 =	vsel vm1, $0xFFFFFFFF, v0;
	vm0 =	vmneg vm2  }
0xa5: {  	_ =	sdelay $0x2  }
0xa6: {  	v15 =	vadd.s32 $0x1, v15;
	vm1 =	vgt.f32 v4, $5.000000000e-01;
	v57 =	vsel vm0, $0xFFFFFFFF, v0  }
0xa7: {  	v20 =	vadd.s32 $0x1, v20;
	vm10 =	vgt.f32 v5, $5.000000000e-01;
	v1 =	vld.idx.msk [tilespmem:v1+s16+$0x0], $0xffff;
	v58 =	vsel vm1, v15, v11  }
0xa8: {  	vm11 =	vgt.f32 v6, $5.000000000e-01;
	v59 =	vadd.s32 $0x1, v18;
	v60 =	vsel vm10, v20, v14;
	[tilespmem:s30+$0xFFFFFF90] =	vst v58  }
0xa9: {  	vm12 =	vgt.f32 v7, $5.000000000e-01;
	s1 =	sadd.s32 s8, s31;
	s23 =	sadd.s32 $0x2, s23;
	v61 =	vadd.s32 $0x1, v19;
	v6 =	vsel vm11, v59, v13;
	[tilespmem:s30+$0xFFFFFFA0] =	vst v60  }
0xaa: {  	vm13 =	vgt.f32 v9, $5.000000000e-01;
	s4 =	sshll.u32 s31, $0xC;
	s24 =	sadd.s32 $0x800, s24;
	p1 =	slt.u32 s23, s9;
	v62 =	vadd.s32 $0x1, v16;
	v5 =	vsel vm12, v61, v12;
	[tilespmem:s30+$0xFFFFFFB0] =	vst v6  }
.Ltmp4:
0xab: {  	vm14 =	vgt.f32 v8, $5.000000000e-01;
	s25 =	sadd.s32 $0x800, s25;
	s1 =	sshll.u32 s1, $0xA;
	v63 =	vadd.s32 $0x1, v17;
	[tilespmem:s30+$0xFFFFFFC0] =	vst v5;
	v3 =	vsel vm13, v62, v3;
	(pc) =	sbr.rel @p1 .LBB2_4-.Ltmp4, $4  }
0xac: {  	vm15 =	vgt.f32 v10, $5.000000000e-01;
	s26 =	sadd.s32 $0x800, s26;
	s28 =	sadd.s32 $0x800, s28;
	s1 =	sadd.s32 s5, s1;
	v1 =	vadd.s32 $0x1, v1;
	v2 =	vsel vm14, v63, v2;
	[tilespmem:s30+$0xFFFFFFD0] =	vst v3  }
0xad: {  	s13 =	sadd.s32 $0x800, s13;
	s4 =	sshra.s32 s4, $0x2;
	s1 =	sshrl.u32 s1, $0x3;
	v1 =	vsel vm15, v1, v57;
	[tilespmem:s30+$0xFFFFFFE0] =	vst v2  }
0xae: {  	s0 =	sadd.s32 $0x800, s0;
	s4 =	sadd.s32 $0x5800, s4;
	s1 =	sadd.s32 s2, s1;
	[tilespmem:s30+$0xFFFFFFF0] =	vst v1  }
0xaf: {  	[hbm4b:s1+s3] =	stream.linear.scatter [tilespmem:s4], [sflag:$0x4], $0x400, $0x38;
	[tilespmem:$0x8000] =	vst v63  }
.Ltmp5:
0xb0: {  	(pc) =	sbr.rel @!p0 .LBB2_14-.Ltmp5, $3  }
0xb1: {  	_ =	sdelay $0x1  }
0xb2: {  	s23 =	smov.u32 s15;
	s24 =	rddreg [dreg:$0x6]  }
0xb3: {  	s25 =	rddreg [dreg:$0x7];
	s26 =	smov.u32 s9;
	s0 =	smov.u32 s7  }
.LBB2_10:
0xb4: {  	_ =	swait.ge [sflag:s18], $0x400  }
0xb5: {  	[sflag:s18] =	ssyncset.done $0x0  }
0xb6: {  	[sflag:s18] =	ssyncadd.s32 $0xFFFFFC00  }
0xb7: {  	_ =	swait.ge [sflag:s19], $0x400  }
0xb8: {  	[sflag:s19] =	ssyncset.done $0x0  }
0xb9: {  	[sflag:s19] =	ssyncadd.s32 $0xFFFFFC00  }
0xba: {  	v1 =	vld [tilespmem:s25+$0x30]  }
0xbb: {  	v2 =	vld [tilespmem:s25+$0xFFFFFFD0]  }
0xbc: {  	v3 =	vld [tilespmem:s25+$0xFFFFFFE0]  }
0xbd: {  	v4 =	vld [tilespmem:s25+$0xFFFFFFF0]  }
0xbe: {  	v8 =	vld [tilespmem:s25+$0xFFFFFFC0]  }
0xbf: {  	v5 =	vld [tilespmem:s25+$0x0];
	vm0 =	vgt.s32 v1, $0x0  }
0xc0: {  	v6 =	vld [tilespmem:s25+$0x10];
	v1 =	vnsel vm0, $0x0, v1  }
0xc1: {  	v7 =	vld [tilespmem:s25+$0x20];
	vm0 =	vgt.s32 v2, $0x0;
	v1 =	vmin.u32 v1, $0x63  }
0xc2: {  	v2 =	vnsel vm0, $0x0, v2;
	vm0 =	vgt.s32 v3, $0x0;
	v1 =	vor.u32 s22, v1  }
0xc3: {  	vm1 =	vgt.s32 v8, $0x0;
	v3 =	vnsel vm0, $0x0, v3;
	vm0 =	vgt.s32 v4, $0x0  }
0xc4: {  	v2 =	vmin.u32 v2, $0x63;
	v4 =	vnsel vm0, $0x0, v4;
	vm0 =	vgt.s32 v5, $0x0  }
0xc5: {  	v10 =	vld [tilespmem:s24+$0x30];
	v3 =	vmin.u32 v3, $0x63;
	v5 =	vnsel vm0, $0x0, v5;
	vm0 =	vgt.s32 v6, $0x0  }
0xc6: {  	v9 =	vmin.u32 v4, $0x63;
	v4 =	vld [tilespmem:s24+$0xFFFFFFC0];
	v6 =	vnsel vm0, $0x0, v6;
	vm0 =	vgt.s32 v7, $0x0  }
0xc7: {  	v11 =	vld.idx.msk [tilespmem:v1+s16+$0x0], $0xffff;
	v1 =	vmin.u32 v5, $0x63;
	v5 =	vnsel vm0, $0x0, v7;
	v7 =	vnsel vm1, $0x0, v8  }
0xc8: {  	v8 =	vmin.u32 v6, $0x63;
	v12 =	vmin.u32 v5, $0x63;
	v6 =	vmin.u32 v7, $0x63;
	v5 =	vld [tilespmem:s24+$0xFFFFFFD0]  }
0xc9: {  	v2 =	vor.u32 s22, v2;
	v3 =	vor.u32 s22, v3;
	v13 =	vor.u32 s22, v6;
	v6 =	vld [tilespmem:s24+$0xFFFFFFE0]  }
0xca: {  	v16 =	vor.u32 s22, v9;
	vm0 =	vlt.f32 v10, $-5.000000000e-01;
	vm1 =	vgt.f32 v10, $5.000000000e-01;
	v7 =	vld [tilespmem:s24+$0xFFFFFFF0]  }
0xcb: {  	v9 =	vld [tilespmem:s24+$0x0];
	v17 =	vor.u32 s22, v1;
	v21 =	vor.u32 s22, v8;
	vm0 =	vmneg vm0  }
0xcc: {  	v8 =	vld [tilespmem:s24+$0x10];
	v1 =	vor.u32 s22, v12;
	v12 =	vsel vm0, $0xFFFFFFFF, v0;
	vm0 =	vlt.f32 v4, $-5.000000000e-01  }
0xcd: {  	v10 =	vld [tilespmem:s24+$0x20];
	vm0 =	vmneg vm0;
	v11 =	vadd.s32 $0x1, v11;
	vm2 =	vlt.f32 v5, $-5.000000000e-01  }
0xce: {  	v20 =	vld.idx.msk [tilespmem:v2+s16+$0x0], $0xffff;
	v22 =	vsel vm1, v11, v12;
	vm1 =	vmneg vm2;
	vm2 =	vlt.f32 v6, $-5.000000000e-01  }
0xcf: {  	v11 =	vsel vm0, $0xFFFFFFFF, v0;
	v15 =	vld.idx.msk [tilespmem:v13+s16+$0x0], $0xffff;
	vm0 =	vmneg vm2;
	vm2 =	vlt.f32 v7, $-5.000000000e-01  }
0xd0: {  	v18 =	vld.idx.msk [tilespmem:v3+s16+$0x0], $0xffff;
	v14 =	vsel vm1, $0xFFFFFFFF, v0;
	vm1 =	vmneg vm2;
	vm2 =	vlt.f32 v9, $-5.000000000e-01  }
0xd1: {  	v19 =	vld.idx.msk [tilespmem:v16+s16+$0x0], $0xffff;
	v13 =	vsel vm0, $0xFFFFFFFF, v0;
	vm0 =	vmneg vm2;
	vm2 =	vlt.f32 v8, $-5.000000000e-01  }
0xd2: {  	s4 =	simm.s32 $0x0;
	s1 =	sadd.s32 $0x80, s25;
	v16 =	vld.idx.msk [tilespmem:v17+s16+$0x0], $0xffff;
	v12 =	vsel vm1, $0xFFFFFFFF, v0;
	vm1 =	vmneg vm2;
	vm2 =	vlt.f32 v10, $-5.000000000e-01  }
0xd3: {  	s0 =	smov.u32 s23;
	s6 =	smov.u32 s10;
	s13 =	smov.u32 s24;
	v17 =	vld.idx.msk [tilespmem:v21+s16+$0x0], $0xffff;
	[tilespmem:s23+$0x30] =	vst v22;
	v3 =	vsel vm0, $0xFFFFFFFF, v0;
	v2 =	vsel vm1, $0xFFFFFFFF, v0;
	vm0 =	vmneg vm2  }
.LBB2_11:
0xd4: {  	v21 =	vld [tilespmem:s1+$0x30];
	s4 =	sadd.s32 $0x80, s4;
	v15 =	vadd.s32 $0x1, v15;
	vm3 =	vgt.f32 v4, $5.000000000e-01;
	v22 =	vsel vm0, $0xFFFFFFFF, v0  }
0xd5: {  	v20 =	vadd.s32 $0x1, v20;
	vm4 =	vgt.f32 v5, $5.000000000e-01;
	vm5 =	vgt.f32 v6, $5.000000000e-01;
	v4 =	vld [tilespmem:s1+$0xFFFFFFD0];
	p1 =	slt.u32 s4, $0x380  }
0xd6: {  	vm6 =	vgt.f32 v7, $5.000000000e-01;
	vm1 =	vgt.f32 v9, $5.000000000e-01;
	v6 =	vadd.s32 $0x1, v18;
	v5 =	vld [tilespmem:s1+$0xFFFFFFE0]  }
0xd7: {  	vm2 =	vgt.f32 v8, $5.000000000e-01;
	vm0 =	vgt.f32 v10, $5.000000000e-01;
	v9 =	vadd.s32 $0x1, v19;
	v7 =	vld [tilespmem:s1+$0xFFFFFFF0]  }
0xd8: {  	v10 =	vsel vm3, v15, v11;
	v11 =	vsel vm4, v20, v14;
	v14 =	vadd.s32 $0x1, v16;
	v8 =	vld [tilespmem:s1+$0x0]  }
0xd9: {  	v6 =	vsel vm5, v6, v13;
	v15 =	vld [tilespmem:s1+$0x10];
	vm3 =	vgt.s32 v21, $0x0;
	[tilespmem:s0+$0xFFFFFFC0] =	vst v10;
	v10 =	vadd.s32 $0x1, v17  }
0xda: {  	s6 =	sadd.s32 $0x1, s6;
	v9 =	vsel vm6, v9, v12;
	vm4 =	vgt.s32 v4, $0x0;
	v13 =	vld [tilespmem:s1+$0x20];
	v16 =	vnsel vm3, $0x0, v21;
	[tilespmem:s0+$0xFFFFFFD0] =	vst v11  }
0xdb: {  	s14 =	sshll.u32 s6, $0x7;
	v11 =	vld [tilespmem:s1+$0xFFFFFFC0];
	v4 =	vnsel vm4, $0x0, v4;
	vm3 =	vgt.s32 v5, $0x0;
	v12 =	vmin.u32 v16, $0x63;
	[tilespmem:s0+$0xFFFFFFE0] =	vst v6  }
0xdc: {  	v5 =	vnsel vm3, $0x0, v5;
	vm3 =	vgt.s32 v7, $0x0;
	v6 =	vor.u32 s14, v12;
	[tilespmem:s0+$0xFFFFFFF0] =	vst v9;
	v9 =	vld.idx.msk [tilespmem:v1+s16+$0x0], $0xffff  }
0xdd: {  	v1 =	vmin.u32 v4, $0x63;
	v4 =	vnsel vm3, $0x0, v7;
	vm3 =	vgt.s32 v8, $0x0  }
0xde: {  	v5 =	vmin.u32 v5, $0x63;
	v7 =	vnsel vm3, $0x0, v8;
	vm3 =	vgt.s32 v15, $0x0  }
0xdf: {  	s13 =	sadd.s32 $0x80, s13;
	v8 =	vmin.u32 v4, $0x63;
	v4 =	vnsel vm3, $0x0, v15;
	vm3 =	vgt.s32 v13, $0x0  }
0xe0: {  	v7 =	vmin.u32 v7, $0x63;
	vm4 =	vgt.s32 v11, $0x0;
	v12 =	vnsel vm3, $0x0, v13;
	v13 =	vld [tilespmem:s13+$0x30]  }
0xe1: {  	v15 =	vmin.u32 v4, $0x63;
	v11 =	vnsel vm4, $0x0, v11;
	v12 =	vmin.u32 v12, $0x63;
	v16 =	vld.idx.msk [tilespmem:v6+s16+$0x0], $0xffff  }
0xe2: {  	v17 =	vor.u32 s14, v1;
	v18 =	vor.u32 s14, v5;
	v6 =	vmin.u32 v11, $0x63;
	v4 =	vld [tilespmem:s13+$0xFFFFFFC0]  }
0xe3: {  	v19 =	vor.u32 s14, v8;
	v21 =	vor.u32 s14, v7;
	v11 =	vor.u32 s14, v6;
	v5 =	vld [tilespmem:s13+$0xFFFFFFD0]  }
0xe4: {  	v23 =	vor.u32 s14, v15;
	v8 =	vadd.s32 $0x1, v9;
	v1 =	vor.u32 s14, v12;
	v6 =	vld [tilespmem:s13+$0xFFFFFFE0]  }
0xe5: {  	v3 =	vsel vm1, v14, v3;
	v2 =	vsel vm2, v10, v2;
	v7 =	vld [tilespmem:s13+$0xFFFFFFF0];
	vm3 =	vlt.f32 v13, $-5.000000000e-01  }
0xe6: {  	v9 =	vld [tilespmem:s13+$0x0];
	vm1 =	vmneg vm3;
	[tilespmem:s0+$0x0] =	vst v3;
	v3 =	vsel vm0, v8, v22  }
0xe7: {  	v12 =	vadd.s32 $0x1, v16;
	vm0 =	vgt.f32 v13, $5.000000000e-01;
	v8 =	vld [tilespmem:s13+$0x10];
	v13 =	vsel vm1, $0xFFFFFFFF, v0;
	[tilespmem:s0+$0x10] =	vst v2  }
0xe8: {  	vm1 =	vlt.f32 v4, $-5.000000000e-01;
	vm2 =	vlt.f32 v5, $-5.000000000e-01;
	v10 =	vld [tilespmem:s13+$0x20];
	v2 =	vsel vm0, v12, v13;
	[tilespmem:s0+$0x20] =	vst v3;
	s0 =	sadd.s32 $0x80, s0  }
0xe9: {  	vm0 =	vmneg vm1;
	v15 =	vld.idx.msk [tilespmem:v11+s16+$0x0], $0xffff;
	vm1 =	vmneg vm2;
	vm2 =	vlt.f32 v6, $-5.000000000e-01;
	[tilespmem:s0+$0x30] =	vst v2  }
.Ltmp6:
0xea: {  	v11 =	vsel vm0, $0xFFFFFFFF, v0;
	v20 =	vld.idx.msk [tilespmem:v17+s16+$0x0], $0xffff;
	vm0 =	vmneg vm2;
	vm2 =	vlt.f32 v7, $-5.000000000e-01;
	(pc) =	sbr.rel @p1 .LBB2_11-.Ltmp6, $4  }
0xeb: {  	v14 =	vsel vm1, $0xFFFFFFFF, v0;
	v18 =	vld.idx.msk [tilespmem:v18+s16+$0x0], $0xffff;
	vm1 =	vmneg vm2;
	vm2 =	vlt.f32 v9, $-5.000000000e-01  }
0xec: {  	v13 =	vsel vm0, $0xFFFFFFFF, v0;
	v19 =	vld.idx.msk [tilespmem:v19+s16+$0x0], $0xffff;
	vm0 =	vmneg vm2;
	vm2 =	vlt.f32 v8, $-5.000000000e-01  }
0xed: {  	v12 =	vsel vm1, $0xFFFFFFFF, v0;
	v16 =	vld.idx.msk [tilespmem:v21+s16+$0x0], $0xffff;
	vm1 =	vmneg vm2;
	vm2 =	vlt.f32 v10, $-5.000000000e-01  }
0xee: {  	s1 =	sadd.s32 $0x80, s1;
	v3 =	vsel vm0, $0xFFFFFFFF, v0;
	v17 =	vld.idx.msk [tilespmem:v23+s16+$0x0], $0xffff;
	v2 =	vsel vm1, $0xFFFFFFFF, v0;
	vm0 =	vmneg vm2  }
0xef: {  	_ =	sdelay $0x2  }
0xf0: {  	v15 =	vadd.s32 $0x1, v15;
	vm1 =	vgt.f32 v4, $5.000000000e-01;
	v57 =	vsel vm0, $0xFFFFFFFF, v0  }
0xf1: {  	v20 =	vadd.s32 $0x1, v20;
	vm10 =	vgt.f32 v5, $5.000000000e-01;
	v1 =	vld.idx.msk [tilespmem:v1+s16+$0x0], $0xffff;
	v58 =	vsel vm1, v15, v11  }
0xf2: {  	vm11 =	vgt.f32 v6, $5.000000000e-01;
	v59 =	vadd.s32 $0x1, v18;
	v60 =	vsel vm10, v20, v14;
	[tilespmem:s0+$0xFFFFFFC0] =	vst v58  }
0xf3: {  	vm12 =	vgt.f32 v7, $5.000000000e-01;
	s1 =	sadd.s32 s8, s26;
	s4 =	sshll.u32 s26, $0xA;
	s26 =	sadd.s32 $0x1, s26;
	v61 =	vadd.s32 $0x1, v19;
	v6 =	vsel vm11, v59, v13;
	[tilespmem:s0+$0xFFFFFFD0] =	vst v60  }
0xf4: {  	vm13 =	vgt.f32 v9, $5.000000000e-01;
	p1 =	slt.u32 s26, s7;
	v62 =	vadd.s32 $0x1, v16;
	v5 =	vsel vm12, v61, v12;
	[tilespmem:s0+$0xFFFFFFE0] =	vst v6  }
.Ltmp7:
0xf5: {  	vm14 =	vgt.f32 v8, $5.000000000e-01;
	s1 =	sshll.u32 s1, $0xA;
	v63 =	vadd.s32 $0x1, v17;
	[tilespmem:s0+$0xFFFFFFF0] =	vst v5;
	v3 =	vsel vm13, v62, v3;
	(pc) =	sbr.rel @p1 .LBB2_10-.Ltmp7, $4  }
0xf6: {  	vm15 =	vgt.f32 v10, $5.000000000e-01;
	s25 =	sadd.s32 $0x400, s25;
	s1 =	sadd.s32 s5, s1;
	v1 =	vadd.s32 $0x1, v1;
	v2 =	vsel vm14, v63, v2;
	[tilespmem:s0+$0x0] =	vst v3  }
0xf7: {  	s24 =	sadd.s32 $0x400, s24;
	s4 =	sand.u32 $0x3FFFFC00, s4;
	s1 =	sshrl.u32 s1, $0x3;
	v1 =	vsel vm15, v1, v57;
	[tilespmem:s0+$0x10] =	vst v2  }
0xf8: {  	s23 =	sadd.s32 $0x400, s23;
	s31 =	sadd.s32 $0x5800, s4;
	s1 =	sadd.s32 s2, s1;
	[tilespmem:s0+$0x20] =	vst v1  }
0xf9: {  	[hbm4b:s1+s3] =	stream.linear.scatter [tilespmem:s31], [sflag:$0x4], $0x400, $0x38;
	[tilespmem:$0x8000] =	vst v63  }
0xfa: {  	s0 =	smov.u32 s7  }
.LBB2_14:
0xfb: {  	p1 =	sne.s32 s0, $0x1  }
.Ltmp8:
0xfc: {  	_ = 	snop;
	(pc) =	sbr.rel @p1 .LBB2_14-.Ltmp8, $4  }
0xfd: {  	_ = 	snop  }
0xfe: {  	_ =	swait.ge [sflag:s20], $0x400  }
0xff: {  	[sflag:s20] =	ssyncset.done $0x0  }
0x100: {  	s0 =	sadd.s32 $0xFFFFFFFF, s0;
	[sflag:s20] =	ssyncadd.s32 $0xFFFFFC00  }
0x101: {  	s21 =	sadd.s32 $0x1, s21;
	s0 =	rddreg [dreg:$0x5]  }
0x102: {  	p1 =	sne.s32 s21, s0  }
.Ltmp9:
0x103: {  	_ = 	snop;
	(pc) =	sbr.rel @p1 .LBB2_1-.Ltmp9, $1  }
0x104: {  	_ =	sdelay $0x3  }
0x105: {  	_ =	sfence.sel $0x180000  }
0x106: {  	[bflag:$0x0] =	sbarrier.arrive $0xFFFF  }
0x107: {  	_ =	strace $0x90000047  }
0x108: {  	s0 =	stileid.u32;
	[bflag:$0x2] =	sbarrier.arrive $0xFFFF  }
0x109: {  	p0 =	sne.s32 s0, $0x0;
	s0 =	rddreg [dreg:$0x4]  }
0x10a: {  	s0 =	sadd.s32 @!p0 $0x100000, s0  }
0x10b: {  	[sflag:s0] =	ssyncadd.tile.s32 @!p0 $0x1;
	_ =	shalt  }
.Lfunc_end2:
_tile_overlayer_lowered:
.L_overlay_start_2:
0x10c: {  	(tag) =	ssettag $0x2  }
0x10d: {  	s0 =	rddreg [dreg:$0x0];
	s2 =	stileid.u32  }
0x10e: {  	s1 =	rddreg [dreg:$0x1];
	p0 =	sne.s32 s2, $0x0  }
0x10f: {  	s3 =	rddreg [dreg:$0x2];
	[bflag:$0x3] =	sbarrier.arrive $0xFFFF;
	s2 =	simm.s32 @!p0 $0x1C05  }
0x110: {  	[timem:s3], [sflag:s2] =	dma.local @!p0 [hbm:s0], s1  }
0x111: {  	s0 =	simm.s32 @!p0 $0x5  }
0x112: {  	_ =	swait.ge @!p0 [sflag:s0], s1  }
0x113: {  	s1 =	ssub.s32 @!p0 $0x0, s1;
	[sflag:s0] =	ssyncset.done @!p0 $0x0  }
0x114: {  	[sflag:s0] =	ssyncadd.s32 @!p0 s1  }
0x115: {  	[bflag:$0x3] =	sbarrier.arrive $0xFFFF  }
0x116: {  	_ =	shalt  }

</sc_bundles>
